<compile_context>
chip_gen: v7x
topology: tpu7x:2x2x1
jax: 0.10.2.dev20260603
libtpu: 0.0.44.dev20260713+nightly
codegen_flags: <defaults>
</compile_context>

<pallas_src>
import jax
import jax.numpy as jnp
from jax import lax
from jax.experimental import pallas as pl
from jax.experimental.pallas import tpu as pltpu
from jax.experimental.pallas import tpu_sc as plsc

NC = 2
NS = 16
NW = NC * NS
L = 16
CP = 8


def _pick_block(ew: int) -> int:
    best = L
    for b in range(L, 801, L):
        if ew % b == 0 and (ew // b) % 2 == 0:
            best = b
    return best


def kernel(charges, cell, positions, neighbor_indices, neighbor_distances):
    n, c = charges.shape
    e = neighbor_indices.shape[0]
    assert e % NW == 0, e
    ew = e // NW
    blk = _pick_block(ew)
    npair = ew // blk // 2

    mesh = plsc.VectorSubcoreMesh(
        core_axis_name="c", subcore_axis_name="s", num_cores=NC, num_subcores=NS)

    def body(q_hbm, ii_hbm, jj_hbm, ndist_hbm, zeros_hbm, out_hbm,
             q_sp, acc_sp,
             w0, ia0, ja0, ra0, rb0,
             w1, ia1, ja1, ra1, rb1,
             slin0, slin1, sg0, sg1, ss0, ss1):
        cid = lax.axis_index("c")
        sid = lax.axis_index("s")
        wid = cid * NS + sid

        @pl.when(sid == 0)
        def _stage():
            pltpu.sync_copy(q_hbm, q_sp)
            pltpu.sync_copy(zeros_hbm, acc_sp)

        plsc.subcore_barrier()

        iota = lax.iota(jnp.int32, L)
        pat = iota // CP
        colpat = iota - pat * CP
        base = wid * ew

        def linload(off, wb, iab, jab, sem):
            pltpu.async_copy(ii_hbm.at[pl.ds(off, blk)], iab, sem)
            pltpu.async_copy(jj_hbm.at[pl.ds(off, blk)], jab, sem)
            pltpu.async_copy(ndist_hbm.at[pl.ds(off, blk)], wb, sem)

        def linwait(off, wb, iab, jab, sem):
            pltpu.make_async_copy(ii_hbm.at[pl.ds(off, blk)], iab, sem).wait()
            pltpu.make_async_copy(jj_hbm.at[pl.ds(off, blk)], jab, sem).wait()
            pltpu.make_async_copy(ndist_hbm.at[pl.ds(off, blk)], wb, sem).wait()

        def wscale(wb):
            @plsc.parallel_loop(0, blk // L, unroll=4)
            def _(g):
                s = g * L
                wb[pl.ds(s, L)] = 0.5 / wb[pl.ds(s, L)]

        def scale(wb, rab, rbb):
            @plsc.parallel_loop(0, (blk * CP) // L, unroll=4)
            def _(g):
                r = g * (L // CP)
                row_idx = r + pat
                w16 = plsc.load_gather(wb, [row_idx])
                va = plsc.load_gather(rab, [row_idx, colpat]) * w16
                plsc.store_scatter(rab, [row_idx, colpat], va)
                vb = plsc.load_gather(rbb, [row_idx, colpat]) * w16
                plsc.store_scatter(rbb, [row_idx, colpat], vb)

        def phase(off, wb, iab, jab, rab, rbb, slin, sg):
            linwait(off, wb, iab, jab, slin)
            pltpu.async_copy(q_sp.at[jab], rab, sg)
            pltpu.async_copy(q_sp.at[iab], rbb, sg)
            wscale(wb)
            pltpu.make_async_copy(q_sp.at[jab], rab, sg).wait()
            pltpu.make_async_copy(q_sp.at[iab], rbb, sg).wait()
            scale(wb, rab, rbb)

        def scatter(rab, rbb, iab, jab, ss):
            pltpu.async_copy(rab, acc_sp.at[iab], ss, add=True)
            pltpu.async_copy(rbb, acc_sp.at[jab], ss, add=True)

        def scatwait(rab, rbb, iab, jab, ss):
            pltpu.make_async_copy(rab, acc_sp.at[iab], ss).wait()
            pltpu.make_async_copy(rbb, acc_sp.at[jab], ss).wait()

        linload(base, w0, ia0, ja0, slin0)

        def pair(b2, carry):
            off0 = base + (2 * b2) * blk
            off1 = off0 + blk
            phase(off0, w0, ia0, ja0, ra0, rb0, slin0, sg0)

            @pl.when(b2 >= 1)
            def _():
                scatwait(ra1, rb1, ia1, ja1, ss1)

            scatter(ra0, rb0, ia0, ja0, ss0)
            linload(off1, w1, ia1, ja1, slin1)

            phase(off1, w1, ia1, ja1, ra1, rb1, slin1, sg1)
            scatter(ra1, rb1, ia1, ja1, ss1)
            scatwait(ra0, rb0, ia0, ja0, ss0)

            @pl.when(b2 + 1 < npair)
            def _():
                linload(base + (2 * b2 + 2) * blk, w0, ia0, ja0, slin0)

            return carry

        lax.fori_loop(0, npair, pair, 0)
        scatwait(ra1, rb1, ia1, ja1, ss1)

        plsc.subcore_barrier()

        @pl.when(sid == 0)
        def _writeout():
            pltpu.sync_copy(acc_sp, out_hbm.at[pl.ds(cid * n, n)])

    kfn = pl.kernel(
        body,
        out_type=jax.ShapeDtypeStruct((NC * n, CP), jnp.float32),
        mesh=mesh,
        compiler_params=pltpu.CompilerParams(
            needs_layout_passes=False, use_tc_tiling_on_sc=False),
        scratch_types=[
            pltpu.VMEM_SHARED((n, CP), jnp.float32),
            pltpu.VMEM_SHARED((n, CP), jnp.float32),
            pltpu.VMEM((blk,), jnp.float32),
            pltpu.VMEM((blk,), jnp.int32),
            pltpu.VMEM((blk,), jnp.int32),
            pltpu.VMEM((blk, CP), jnp.float32),
            pltpu.VMEM((blk, CP), jnp.float32),
            pltpu.VMEM((blk,), jnp.float32),
            pltpu.VMEM((blk,), jnp.int32),
            pltpu.VMEM((blk,), jnp.int32),
            pltpu.VMEM((blk, CP), jnp.float32),
            pltpu.VMEM((blk, CP), jnp.float32),
            pltpu.SemaphoreType.DMA,
            pltpu.SemaphoreType.DMA,
            pltpu.SemaphoreType.DMA,
            pltpu.SemaphoreType.DMA,
            pltpu.SemaphoreType.DMA,
            pltpu.SemaphoreType.DMA,
        ],
    )

    qpad = jnp.pad(charges, ((0, 0), (0, CP - c)))
    zeros = jnp.zeros((n, CP), jnp.float32)
    partial = kfn(qpad, neighbor_indices[:, 0], neighbor_indices[:, 1],
                  neighbor_distances, zeros)
    return partial[:n, :c] + partial[n:, :c]

# --- scband reference (transcript-rebuilt; emitter-appended) ---
"""Pipeline reference for scband-calculator-86801289052523 (READ-ONLY COPY).

The authoritative reference and input builder live on the scoring server;
editing this copy changes nothing except your own understanding.
"""

import jax, jax.numpy as jnp
import numpy as np

N = 100000
E = 6400000
C = 4
PREFACTOR = 1.0


def setup_inputs(seed: int = 0) -> dict:
    key = jax.random.key(seed)
    k1, k2, k3, k4, k5 = jax.random.split(key, 5)
    charges = jax.random.normal(k1, (N, C), dtype=jnp.float32)
    cell = jax.random.normal(k2, (3, 3), dtype=jnp.float32)
    positions = jax.random.normal(k3, (N, 3), dtype=jnp.float32)
    neighbor_indices = jax.random.randint(k4, (E, 2), 0, N, dtype=jnp.int32)
    neighbor_distances = jax.random.uniform(k5, (E,), minval=0.5, maxval=5.0, dtype=jnp.float32)
    return {
        "charges": charges,
        "cell": cell,
        "positions": positions,
        "neighbor_indices": neighbor_indices,
        "neighbor_distances": neighbor_distances,
    }


def reference(charges, cell, positions, neighbor_indices, neighbor_distances):
    # Potential with smearing=None -> only the real-space part is evaluated.
    # Coulomb potential: from_dist(r) = 1/r
    potentials_bare = 1.0 / neighbor_distances
    atom_is = neighbor_indices[:, 0]
    atom_js = neighbor_indices[:, 1]
    contributions_is = charges[atom_js] * potentials_bare[:, None]
    potential = jnp.zeros_like(charges).at[atom_is].add(contributions_is)
    # half neighbor list (full_neighbor_list=False): symmetrize
    contributions_js = charges[atom_is] * potentials_bare[:, None]
    potential = potential.at[atom_js].add(contributions_js)
    return PREFACTOR * (potential / 2.0)

if __name__ == "__main__":
    import jax
    _d = setup_inputs()
    print(jax.jit(kernel)(*tuple(_d.values())))

</pallas_src>

<mosaic_0001>
#map = affine_map<(d0, d1) -> (0, 0)>
#map1 = affine_map<(d0, d1) -> (0)>
module attributes {stable_mosaic.version = 14 : i64} {
  func.func @body(%arg0: i32, %arg1: i32, %arg2: memref<100000x8xf32, #tpu.memory_space<hbm>>, %arg3: memref<6400000xi32, #tpu.memory_space<hbm>>, %arg4: memref<6400000xi32, #tpu.memory_space<hbm>>, %arg5: memref<6400000xf32, #tpu.memory_space<hbm>>, %arg6: memref<100000x8xf32, #tpu.memory_space<hbm>>, %arg7: memref<200000x8xf32, #tpu.memory_space<hbm>>, %arg8: memref<100000x8xf32, #tpu.memory_space<vmem_shared>>, %arg9: memref<100000x8xf32, #tpu.memory_space<vmem_shared>>, %arg10: memref<800xf32, #tpu.memory_space<vmem>>, %arg11: memref<800xi32, #tpu.memory_space<vmem>>, %arg12: memref<800xi32, #tpu.memory_space<vmem>>, %arg13: memref<800x8xf32, #tpu.memory_space<vmem>>, %arg14: memref<800x8xf32, #tpu.memory_space<vmem>>, %arg15: memref<800xf32, #tpu.memory_space<vmem>>, %arg16: memref<800xi32, #tpu.memory_space<vmem>>, %arg17: memref<800xi32, #tpu.memory_space<vmem>>, %arg18: memref<800x8xf32, #tpu.memory_space<vmem>>, %arg19: memref<800x8xf32, #tpu.memory_space<vmem>>, %arg20: memref<!tpu.dma_semaphore, #tpu.memory_space<semaphore_mem>>, %arg21: memref<!tpu.dma_semaphore, #tpu.memory_space<semaphore_mem>>, %arg22: memref<!tpu.dma_semaphore, #tpu.memory_space<semaphore_mem>>, %arg23: memref<!tpu.dma_semaphore, #tpu.memory_space<semaphore_mem>>, %arg24: memref<!tpu.dma_semaphore, #tpu.memory_space<semaphore_mem>>, %arg25: memref<!tpu.dma_semaphore, #tpu.memory_space<semaphore_mem>>) attributes {dimension_semantics = [#tpu.dimension_semantics<core_parallel>, #tpu.dimension_semantics<subcore_parallel>], iteration_bounds = array<i64: 2, 16>, scalar_prefetch = 0 : i64, scratch_operands = 18 : i64, tpu.core_type = #tpu.core_type<sc_vector_subcore>, window_params = [{transform_indices = #map}, {transform_indices = #map1}, {transform_indices = #map1}, {transform_indices = #map1}, {transform_indices = #map}, {transform_indices = #map}]} {
    %mul3A = arith.constant 16 : i32
    %mul3A_0 = arith.muli %arg0, %mul3A : i32
    %add3A = arith.addi %mul3A_0, %arg1 : i32
    %eq3A = arith.constant 0 : i32
    %eq3A_1 = arith.cmpi eq, %arg1, %eq3A : i32
    %convert_element_type3A = arith.extui %eq3A_1 : i1 to i32
    %cond3A = arith.constant 0 : i32
    %cond3A_2 = arith.cmpi ne, %convert_element_type3A, %cond3A : i32
    scf.if %cond3A_2 {
      "tpu.region"() ({
        %run_scoped3A = tpu.sem_alloc : memref<!tpu.dma_semaphore, #tpu.memory_space<semaphore_mem>>
        tpu.enqueue_dma source(%arg2 : memref<100000x8xf32, #tpu.memory_space<hbm>>) target(%arg8 : memref<100000x8xf32, #tpu.memory_space<vmem_shared>>) target_semaphore(%run_scoped3A : memref<!tpu.dma_semaphore, #tpu.memory_space<semaphore_mem>>)
        tpu.wait_dma2 semaphore(%run_scoped3A : memref<!tpu.dma_semaphore, #tpu.memory_space<semaphore_mem>>) src(%arg2 : memref<100000x8xf32, #tpu.memory_space<hbm>>) dst(%arg8 : memref<100000x8xf32, #tpu.memory_space<vmem_shared>>)
        tpu.yield
      }) : () -> ()
      "tpu.region"() ({
        %run_scoped3A = tpu.sem_alloc : memref<!tpu.dma_semaphore, #tpu.memory_space<semaphore_mem>>
        tpu.enqueue_dma source(%arg6 : memref<100000x8xf32, #tpu.memory_space<hbm>>) target(%arg9 : memref<100000x8xf32, #tpu.memory_space<vmem_shared>>) target_semaphore(%run_scoped3A : memref<!tpu.dma_semaphore, #tpu.memory_space<semaphore_mem>>)
        tpu.wait_dma2 semaphore(%run_scoped3A : memref<!tpu.dma_semaphore, #tpu.memory_space<semaphore_mem>>) src(%arg6 : memref<100000x8xf32, #tpu.memory_space<hbm>>) dst(%arg9 : memref<100000x8xf32, #tpu.memory_space<vmem_shared>>)
        tpu.yield
      }) : () -> ()
    } else {
    }
    %barrier3A = arith.constant 0 : index
    tpu.barrier barrier_id(%barrier3A)
    %iota3A = tpu.iota {dimensions = array<i32: 0>} : vector<16xi32>
    %jit3A = arith.constant 8 : i32
    %div3A = vector.broadcast %jit3A : i32 to vector<16xi32>
    %div3A_3 = arith.divsi %iota3A, %div3A : vector<16xi32>
    %sign3A = arith.constant 0 : i32
    %sign3A_4 = vector.broadcast %sign3A : i32 to vector<16xi32>
    %sign3A_5 = arith.cmpi sgt, %iota3A, %sign3A_4 : vector<16xi32>
    %sign3A_6 = arith.extui %sign3A_5 : vector<16xi1> to vector<16xi32>
    %sign3A_7 = arith.constant 0 : i32
    %sign3A_8 = vector.broadcast %sign3A_7 : i32 to vector<16xi32>
    %sign3A_9 = arith.cmpi slt, %iota3A, %sign3A_8 : vector<16xi32>
    %sign3A_10 = arith.extui %sign3A_9 : vector<16xi1> to vector<16xi32>
    %sign3A_11 = arith.subi %sign3A_6, %sign3A_10 : vector<16xi32>
    %sign3A_12 = arith.constant 0 : i32
    %sign3A_13 = arith.cmpi sgt, %jit3A, %sign3A_12 : i32
    %sign3A_14 = arith.extui %sign3A_13 : i1 to i32
    %sign3A_15 = arith.constant 0 : i32
    %sign3A_16 = arith.cmpi slt, %jit3A, %sign3A_15 : i32
    %sign3A_17 = arith.extui %sign3A_16 : i1 to i32
    %sign3A_18 = arith.subi %sign3A_14, %sign3A_17 : i32
    %ne3A = vector.broadcast %sign3A_18 : i32 to vector<16xi32>
    %ne3A_19 = arith.cmpi ne, %sign3A_11, %ne3A : vector<16xi32>
    %rem3A = vector.broadcast %jit3A : i32 to vector<16xi32>
    %rem3A_20 = arith.remsi %iota3A, %rem3A : vector<16xi32>
    %ne3A_21 = arith.constant 0 : i32
    %ne3A_22 = vector.broadcast %ne3A_21 : i32 to vector<16xi32>
    %ne3A_23 = arith.cmpi ne, %rem3A_20, %ne3A_22 : vector<16xi32>
    %and3A = arith.andi %ne3A_19, %ne3A_23 : vector<16xi1>
    %sub3A = arith.constant 1 : i32
    %sub3A_24 = vector.broadcast %sub3A : i32 to vector<16xi32>
    %sub3A_25 = arith.subi %div3A_3, %sub3A_24 : vector<16xi32>
    %select_n3A = arith.select %and3A, %sub3A_25, %div3A_3 : vector<16xi1>, vector<16xi32>
    %mul3A_26 = arith.constant 8 : i32
    %mul3A_27 = vector.broadcast %mul3A_26 : i32 to vector<16xi32>
    %mul3A_28 = arith.muli %select_n3A, %mul3A_27 : vector<16xi32>
    %sub3A_29 = arith.subi %iota3A, %mul3A_28 : vector<16xi32>
    %mul3A_30 = arith.constant 200000 : i32
    %mul3A_31 = arith.muli %add3A, %mul3A_30 : i32
    %dma_start3A = tpu.memref_slice %arg3[%mul3A_31] : memref<6400000xi32, #tpu.memory_space<hbm>> -> memref<800xi32, #tpu.memory_space<hbm>>
    %dma_start3A_32 = tpu.memref_slice %arg3[%mul3A_31] : memref<6400000xi32, #tpu.memory_space<hbm>> -> memref<800xi32, #tpu.memory_space<hbm>>
    tpu.enqueue_dma source(%dma_start3A_32 : memref<800xi32, #tpu.memory_space<hbm>>) target(%arg11 : memref<800xi32, #tpu.memory_space<vmem>>) target_semaphore(%arg20 : memref<!tpu.dma_semaphore, #tpu.memory_space<semaphore_mem>>)
    %dma_start3A_33 = tpu.memref_slice %arg4[%mul3A_31] : memref<6400000xi32, #tpu.memory_space<hbm>> -> memref<800xi32, #tpu.memory_space<hbm>>
    %dma_start3A_34 = tpu.memref_slice %arg4[%mul3A_31] : memref<6400000xi32, #tpu.memory_space<hbm>> -> memref<800xi32, #tpu.memory_space<hbm>>
    tpu.enqueue_dma source(%dma_start3A_34 : memref<800xi32, #tpu.memory_space<hbm>>) target(%arg12 : memref<800xi32, #tpu.memory_space<vmem>>) target_semaphore(%arg20 : memref<!tpu.dma_semaphore, #tpu.memory_space<semaphore_mem>>)
    %dma_start3A_35 = tpu.memref_slice %arg5[%mul3A_31] : memref<6400000xf32, #tpu.memory_space<hbm>> -> memref<800xf32, #tpu.memory_space<hbm>>
    %dma_start3A_36 = tpu.memref_slice %arg5[%mul3A_31] : memref<6400000xf32, #tpu.memory_space<hbm>> -> memref<800xf32, #tpu.memory_space<hbm>>
    tpu.enqueue_dma source(%dma_start3A_36 : memref<800xf32, #tpu.memory_space<hbm>>) target(%arg10 : memref<800xf32, #tpu.memory_space<vmem>>) target_semaphore(%arg20 : memref<!tpu.dma_semaphore, #tpu.memory_space<semaphore_mem>>)
    %scan3A = arith.constant 0 : i32
    %scan3A_37 = arith.constant 0 : i32
    %scan3A_38 = arith.constant 125 : i32
    %scan3A_39 = arith.addi %scan3A_37, %scan3A_38 : i32
    %scan3A_40 = arith.constant 1 : i32
    scf.for %scan3A_53 = %scan3A_37 to %scan3A_39 step %scan3A_40  : i32 {
      %mul3A_54 = arith.constant 2 : i32
      %mul3A_55 = arith.muli %mul3A_54, %scan3A_53 : i32
      %mul3A_56 = arith.constant 800 : i32
      %mul3A_57 = arith.muli %mul3A_55, %mul3A_56 : i32
      %add3A_58 = arith.addi %mul3A_31, %mul3A_57 : i32
      %add3A_59 = arith.constant 800 : i32
      %add3A_60 = arith.addi %add3A_58, %add3A_59 : i32
      %dma_wait3A_61 = tpu.memref_slice %arg3[%add3A_58] : memref<6400000xi32, #tpu.memory_space<hbm>> -> memref<800xi32, #tpu.memory_space<hbm>>
      %dma_wait3A_62 = tpu.memref_slice %arg3[%add3A_58] : memref<6400000xi32, #tpu.memory_space<hbm>> -> memref<800xi32, #tpu.memory_space<hbm>>
      tpu.wait_dma2 semaphore(%arg20 : memref<!tpu.dma_semaphore, #tpu.memory_space<semaphore_mem>>) src(%dma_wait3A_62 : memref<800xi32, #tpu.memory_space<hbm>>) dst(%arg11 : memref<800xi32, #tpu.memory_space<vmem>>)
      %dma_wait3A_63 = tpu.memref_slice %arg4[%add3A_58] : memref<6400000xi32, #tpu.memory_space<hbm>> -> memref<800xi32, #tpu.memory_space<hbm>>
      %dma_wait3A_64 = tpu.memref_slice %arg4[%add3A_58] : memref<6400000xi32, #tpu.memory_space<hbm>> -> memref<800xi32, #tpu.memory_space<hbm>>
      tpu.wait_dma2 semaphore(%arg20 : memref<!tpu.dma_semaphore, #tpu.memory_space<semaphore_mem>>) src(%dma_wait3A_64 : memref<800xi32, #tpu.memory_space<hbm>>) dst(%arg12 : memref<800xi32, #tpu.memory_space<vmem>>)
      %dma_wait3A_65 = tpu.memref_slice %arg5[%add3A_58] : memref<6400000xf32, #tpu.memory_space<hbm>> -> memref<800xf32, #tpu.memory_space<hbm>>
      %dma_wait3A_66 = tpu.memref_slice %arg5[%add3A_58] : memref<6400000xf32, #tpu.memory_space<hbm>> -> memref<800xf32, #tpu.memory_space<hbm>>
      tpu.wait_dma2 semaphore(%arg20 : memref<!tpu.dma_semaphore, #tpu.memory_space<semaphore_mem>>) src(%dma_wait3A_66 : memref<800xf32, #tpu.memory_space<hbm>>) dst(%arg10 : memref<800xf32, #tpu.memory_space<vmem>>)
      %dma_start3A_67 = arith.constant 0 : i32
      %dma_start3A_68 = arith.constant 0 : i32
      %dma_start3A_69 = tpu.memref_slice %arg8[%dma_start3A_67, %dma_start3A_68] : memref<100000x8xf32, #tpu.memory_space<vmem_shared>> -> memref<100000x8xf32, #tpu.memory_space<vmem_shared>>
      tpu.enqueue_indirect_dma source(%dma_start3A_69 : memref<100000x8xf32, #tpu.memory_space<vmem_shared>>) target(%arg13 : memref<800x8xf32, #tpu.memory_space<vmem>>) offsets(%arg12 : memref<800xi32, #tpu.memory_space<vmem>>) semaphore(%arg22 : memref<!tpu.dma_semaphore, #tpu.memory_space<semaphore_mem>>)
      %dma_start3A_70 = arith.constant 0 : i32
      %dma_start3A_71 = arith.constant 0 : i32
      %dma_start3A_72 = tpu.memref_slice %arg8[%dma_start3A_70, %dma_start3A_71] : memref<100000x8xf32, #tpu.memory_space<vmem_shared>> -> memref<100000x8xf32, #tpu.memory_space<vmem_shared>>
      tpu.enqueue_indirect_dma source(%dma_start3A_72 : memref<100000x8xf32, #tpu.memory_space<vmem_shared>>) target(%arg14 : memref<800x8xf32, #tpu.memory_space<vmem>>) offsets(%arg11 : memref<800xi32, #tpu.memory_space<vmem>>) semaphore(%arg22 : memref<!tpu.dma_semaphore, #tpu.memory_space<semaphore_mem>>)
      %parallel_loop3A = arith.constant 0 : i32
      %parallel_loop3A_73 = arith.constant 50 : i32
      %parallel_loop3A_74 = arith.constant 1 : i32
      scf.for %parallel_loop3A_142 = %parallel_loop3A to %parallel_loop3A_73 step %parallel_loop3A_74  : i32 {
        %parallel_loop3A_143 = arith.constant 16 : i32
        %parallel_loop3A_144 = arith.muli %parallel_loop3A_142, %parallel_loop3A_143 : i32
        %parallel_loop3A_145 = arith.index_cast %parallel_loop3A_144 : i32 to index
        %parallel_loop3A_146 = tpu.vector_load %arg10[%parallel_loop3A_145] {strides = array<i32>} : memref<800xf32, #tpu.memory_space<vmem>>, vector<16xf32>,
        %parallel_loop3A_147 = arith.constant 5.000000e-01 : f32
        %parallel_loop3A_148 = vector.broadcast %parallel_loop3A_147 : f32 to vector<16xf32>
        %parallel_loop3A_149 = arith.divf %parallel_loop3A_148, %parallel_loop3A_146 : vector<16xf32>
        %parallel_loop3A_150 = arith.index_cast %parallel_loop3A_144 : i32 to index
        %parallel_loop3A_151 = tpu.vector_load %arg10[%parallel_loop3A_150] {strides = array<i32>} : memref<800xf32, #tpu.memory_space<vmem>>, vector<16xf32>,
        tpu.vector_store %arg10[%parallel_loop3A_150], %parallel_loop3A_149 {strides = array<i32>} : memref<800xf32, #tpu.memory_space<vmem>>, vector<16xf32>,
      } {sc.loop_unroll_factor = 4 : i64, sc.parallel_access}
      %dma_wait3A_75 = arith.constant 0 : i32
      %dma_wait3A_76 = arith.constant 0 : i32
      %dma_wait3A_77 = tpu.memref_slice %arg8[%dma_wait3A_75, %dma_wait3A_76] : memref<100000x8xf32, #tpu.memory_space<vmem_shared>> -> memref<100000x8xf32, #tpu.memory_space<vmem_shared>>
      tpu.wait_indirect_dma semaphore(%arg22 : memref<!tpu.dma_semaphore, #tpu.memory_space<semaphore_mem>>) src(%dma_wait3A_77 : memref<100000x8xf32, #tpu.memory_space<vmem_shared>>) dst(%arg13 : memref<800x8xf32, #tpu.memory_space<vmem>>)
      %dma_wait3A_78 = arith.constant 0 : i32
      %dma_wait3A_79 = arith.constant 0 : i32
      %dma_wait3A_80 = tpu.memref_slice %arg8[%dma_wait3A_78, %dma_wait3A_79] : memref<100000x8xf32, #tpu.memory_space<vmem_shared>> -> memref<100000x8xf32, #tpu.memory_space<vmem_shared>>
      tpu.wait_indirect_dma semaphore(%arg22 : memref<!tpu.dma_semaphore, #tpu.memory_space<semaphore_mem>>) src(%dma_wait3A_80 : memref<100000x8xf32, #tpu.memory_space<vmem_shared>>) dst(%arg14 : memref<800x8xf32, #tpu.memory_space<vmem>>)
      %parallel_loop3A_81 = arith.constant 0 : i32
      %parallel_loop3A_82 = arith.constant 400 : i32
      %parallel_loop3A_83 = arith.constant 1 : i32
      scf.for %parallel_loop3A_142 = %parallel_loop3A_81 to %parallel_loop3A_82 step %parallel_loop3A_83  : i32 {
        %parallel_loop3A_143 = arith.constant 2 : i32
        %parallel_loop3A_144 = arith.muli %parallel_loop3A_142, %parallel_loop3A_143 : i32
        %parallel_loop3A_145 = vector.broadcast %parallel_loop3A_144 : i32 to vector<16xi32>
        %parallel_loop3A_146 = arith.addi %parallel_loop3A_145, %select_n3A : vector<16xi32>
        %parallel_loop3A_147 = tpu.vector_load_idx %arg10[%parallel_loop3A_146] : memref<800xf32, #tpu.memory_space<vmem>>[vector<16xi32>], vector<16xf32>,
        %parallel_loop3A_148 = tpu.vector_load_idx %arg13[%parallel_loop3A_146, %sub3A_29] : memref<800x8xf32, #tpu.memory_space<vmem>>[vector<16xi32>, vector<16xi32>], vector<16xf32>,
        %parallel_loop3A_149 = arith.mulf %parallel_loop3A_148, %parallel_loop3A_147 : vector<16xf32>
        tpu.vector_store_idx %arg13[%parallel_loop3A_146, %sub3A_29], %parallel_loop3A_149 : memref<800x8xf32, #tpu.memory_space<vmem>>[vector<16xi32>, vector<16xi32>], vector<16xf32>,
        %parallel_loop3A_150 = tpu.vector_load_idx %arg14[%parallel_loop3A_146, %sub3A_29] : memref<800x8xf32, #tpu.memory_space<vmem>>[vector<16xi32>, vector<16xi32>], vector<16xf32>,
        %parallel_loop3A_151 = arith.mulf %parallel_loop3A_150, %parallel_loop3A_147 : vector<16xf32>
        tpu.vector_store_idx %arg14[%parallel_loop3A_146, %sub3A_29], %parallel_loop3A_151 : memref<800x8xf32, #tpu.memory_space<vmem>>[vector<16xi32>, vector<16xi32>], vector<16xf32>,
      } {sc.loop_unroll_factor = 4 : i64, sc.parallel_access}
      %ge3A = arith.constant 1 : i32
      %ge3A_84 = arith.cmpi sge, %scan3A_53, %ge3A : i32
      %convert_element_type3A_85 = arith.extui %ge3A_84 : i1 to i32
      %cond3A_86 = arith.constant 0 : i32
      %cond3A_87 = arith.cmpi ne, %convert_element_type3A_85, %cond3A_86 : i32
      scf.if %cond3A_87 {
        %dma_wait3A_142 = arith.constant 0 : i32
        %dma_wait3A_143 = arith.constant 0 : i32
        %dma_wait3A_144 = tpu.memref_slice %arg9[%dma_wait3A_142, %dma_wait3A_143] : memref<100000x8xf32, #tpu.memory_space<vmem_shared>> -> memref<100000x8xf32, #tpu.memory_space<vmem_shared>>
        tpu.wait_indirect_dma semaphore(%arg25 : memref<!tpu.dma_semaphore, #tpu.memory_space<semaphore_mem>>) src(%arg18 : memref<800x8xf32, #tpu.memory_space<vmem>>) dst(%dma_wait3A_144 : memref<100000x8xf32, #tpu.memory_space<vmem_shared>>)
        %dma_wait3A_145 = arith.constant 0 : i32
        %dma_wait3A_146 = arith.constant 0 : i32
        %dma_wait3A_147 = tpu.memref_slice %arg9[%dma_wait3A_145, %dma_wait3A_146] : memref<100000x8xf32, #tpu.memory_space<vmem_shared>> -> memref<100000x8xf32, #tpu.memory_space<vmem_shared>>
        tpu.wait_indirect_dma semaphore(%arg25 : memref<!tpu.dma_semaphore, #tpu.memory_space<semaphore_mem>>) src(%arg19 : memref<800x8xf32, #tpu.memory_space<vmem>>) dst(%dma_wait3A_147 : memref<100000x8xf32, #tpu.memory_space<vmem_shared>>)
      } else {
      }
      %dma_start3A_88 = arith.constant 0 : i32
      %dma_start3A_89 = arith.constant 0 : i32
      %dma_start3A_90 = tpu.memref_slice %arg9[%dma_start3A_88, %dma_start3A_89] : memref<100000x8xf32, #tpu.memory_space<vmem_shared>> -> memref<100000x8xf32, #tpu.memory_space<vmem_shared>>
      tpu.enqueue_indirect_dma source(%arg13 : memref<800x8xf32, #tpu.memory_space<vmem>>) target(%dma_start3A_90 : memref<100000x8xf32, #tpu.memory_space<vmem_shared>>) offsets(%arg11 : memref<800xi32, #tpu.memory_space<vmem>>) semaphore(%arg24 : memref<!tpu.dma_semaphore, #tpu.memory_space<semaphore_mem>>) {add = true}
      %dma_start3A_91 = arith.constant 0 : i32
      %dma_start3A_92 = arith.constant 0 : i32
      %dma_start3A_93 = tpu.memref_slice %arg9[%dma_start3A_91, %dma_start3A_92] : memref<100000x8xf32, #tpu.memory_space<vmem_shared>> -> memref<100000x8xf32, #tpu.memory_space<vmem_shared>>
      tpu.enqueue_indirect_dma source(%arg14 : memref<800x8xf32, #tpu.memory_space<vmem>>) target(%dma_start3A_93 : memref<100000x8xf32, #tpu.memory_space<vmem_shared>>) offsets(%arg12 : memref<800xi32, #tpu.memory_space<vmem>>) semaphore(%arg24 : memref<!tpu.dma_semaphore, #tpu.memory_space<semaphore_mem>>) {add = true}
      %dma_start3A_94 = tpu.memref_slice %arg3[%add3A_60] : memref<6400000xi32, #tpu.memory_space<hbm>> -> memref<800xi32, #tpu.memory_space<hbm>>
      %dma_start3A_95 = tpu.memref_slice %arg3[%add3A_60] : memref<6400000xi32, #tpu.memory_space<hbm>> -> memref<800xi32, #tpu.memory_space<hbm>>
      tpu.enqueue_dma source(%dma_start3A_95 : memref<800xi32, #tpu.memory_space<hbm>>) target(%arg16 : memref<800xi32, #tpu.memory_space<vmem>>) target_semaphore(%arg21 : memref<!tpu.dma_semaphore, #tpu.memory_space<semaphore_mem>>)
      %dma_start3A_96 = tpu.memref_slice %arg4[%add3A_60] : memref<6400000xi32, #tpu.memory_space<hbm>> -> memref<800xi32, #tpu.memory_space<hbm>>
      %dma_start3A_97 = tpu.memref_slice %arg4[%add3A_60] : memref<6400000xi32, #tpu.memory_space<hbm>> -> memref<800xi32, #tpu.memory_space<hbm>>
      tpu.enqueue_dma source(%dma_start3A_97 : memref<800xi32, #tpu.memory_space<hbm>>) target(%arg17 : memref<800xi32, #tpu.memory_space<vmem>>) target_semaphore(%arg21 : memref<!tpu.dma_semaphore, #tpu.memory_space<semaphore_mem>>)
      %dma_start3A_98 = tpu.memref_slice %arg5[%add3A_60] : memref<6400000xf32, #tpu.memory_space<hbm>> -> memref<800xf32, #tpu.memory_space<hbm>>
      %dma_start3A_99 = tpu.memref_slice %arg5[%add3A_60] : memref<6400000xf32, #tpu.memory_space<hbm>> -> memref<800xf32, #tpu.memory_space<hbm>>
      tpu.enqueue_dma source(%dma_start3A_99 : memref<800xf32, #tpu.memory_space<hbm>>) target(%arg15 : memref<800xf32, #tpu.memory_space<vmem>>) target_semaphore(%arg21 : memref<!tpu.dma_semaphore, #tpu.memory_space<semaphore_mem>>)
      %dma_wait3A_100 = tpu.memref_slice %arg3[%add3A_60] : memref<6400000xi32, #tpu.memory_space<hbm>> -> memref<800xi32, #tpu.memory_space<hbm>>
      %dma_wait3A_101 = tpu.memref_slice %arg3[%add3A_60] : memref<6400000xi32, #tpu.memory_space<hbm>> -> memref<800xi32, #tpu.memory_space<hbm>>
      tpu.wait_dma2 semaphore(%arg21 : memref<!tpu.dma_semaphore, #tpu.memory_space<semaphore_mem>>) src(%dma_wait3A_101 : memref<800xi32, #tpu.memory_space<hbm>>) dst(%arg16 : memref<800xi32, #tpu.memory_space<vmem>>)
      %dma_wait3A_102 = tpu.memref_slice %arg4[%add3A_60] : memref<6400000xi32, #tpu.memory_space<hbm>> -> memref<800xi32, #tpu.memory_space<hbm>>
      %dma_wait3A_103 = tpu.memref_slice %arg4[%add3A_60] : memref<6400000xi32, #tpu.memory_space<hbm>> -> memref<800xi32, #tpu.memory_space<hbm>>
      tpu.wait_dma2 semaphore(%arg21 : memref<!tpu.dma_semaphore, #tpu.memory_space<semaphore_mem>>) src(%dma_wait3A_103 : memref<800xi32, #tpu.memory_space<hbm>>) dst(%arg17 : memref<800xi32, #tpu.memory_space<vmem>>)
      %dma_wait3A_104 = tpu.memref_slice %arg5[%add3A_60] : memref<6400000xf32, #tpu.memory_space<hbm>> -> memref<800xf32, #tpu.memory_space<hbm>>
      %dma_wait3A_105 = tpu.memref_slice %arg5[%add3A_60] : memref<6400000xf32, #tpu.memory_space<hbm>> -> memref<800xf32, #tpu.memory_space<hbm>>
      tpu.wait_dma2 semaphore(%arg21 : memref<!tpu.dma_semaphore, #tpu.memory_space<semaphore_mem>>) src(%dma_wait3A_105 : memref<800xf32, #tpu.memory_space<hbm>>) dst(%arg15 : memref<800xf32, #tpu.memory_space<vmem>>)
      %dma_start3A_106 = arith.constant 0 : i32
      %dma_start3A_107 = arith.constant 0 : i32
      %dma_start3A_108 = tpu.memref_slice %arg8[%dma_start3A_106, %dma_start3A_107] : memref<100000x8xf32, #tpu.memory_space<vmem_shared>> -> memref<100000x8xf32, #tpu.memory_space<vmem_shared>>
      tpu.enqueue_indirect_dma source(%dma_start3A_108 : memref<100000x8xf32, #tpu.memory_space<vmem_shared>>) target(%arg18 : memref<800x8xf32, #tpu.memory_space<vmem>>) offsets(%arg17 : memref<800xi32, #tpu.memory_space<vmem>>) semaphore(%arg23 : memref<!tpu.dma_semaphore, #tpu.memory_space<semaphore_mem>>)
      %dma_start3A_109 = arith.constant 0 : i32
      %dma_start3A_110 = arith.constant 0 : i32
      %dma_start3A_111 = tpu.memref_slice %arg8[%dma_start3A_109, %dma_start3A_110] : memref<100000x8xf32, #tpu.memory_space<vmem_shared>> -> memref<100000x8xf32, #tpu.memory_space<vmem_shared>>
      tpu.enqueue_indirect_dma source(%dma_start3A_111 : memref<100000x8xf32, #tpu.memory_space<vmem_shared>>) target(%arg19 : memref<800x8xf32, #tpu.memory_space<vmem>>) offsets(%arg16 : memref<800xi32, #tpu.memory_space<vmem>>) semaphore(%arg23 : memref<!tpu.dma_semaphore, #tpu.memory_space<semaphore_mem>>)
      %parallel_loop3A_112 = arith.constant 0 : i32
      %parallel_loop3A_113 = arith.constant 50 : i32
      %parallel_loop3A_114 = arith.constant 1 : i32
      scf.for %parallel_loop3A_142 = %parallel_loop3A_112 to %parallel_loop3A_113 step %parallel_loop3A_114  : i32 {
        %parallel_loop3A_143 = arith.constant 16 : i32
        %parallel_loop3A_144 = arith.muli %parallel_loop3A_142, %parallel_loop3A_143 : i32
        %parallel_loop3A_145 = arith.index_cast %parallel_loop3A_144 : i32 to index
        %parallel_loop3A_146 = tpu.vector_load %arg15[%parallel_loop3A_145] {strides = array<i32>} : memref<800xf32, #tpu.memory_space<vmem>>, vector<16xf32>,
        %parallel_loop3A_147 = arith.constant 5.000000e-01 : f32
        %parallel_loop3A_148 = vector.broadcast %parallel_loop3A_147 : f32 to vector<16xf32>
        %parallel_loop3A_149 = arith.divf %parallel_loop3A_148, %parallel_loop3A_146 : vector<16xf32>
        %parallel_loop3A_150 = arith.index_cast %parallel_loop3A_144 : i32 to index
        %parallel_loop3A_151 = tpu.vector_load %arg15[%parallel_loop3A_150] {strides = array<i32>} : memref<800xf32, #tpu.memory_space<vmem>>, vector<16xf32>,
        tpu.vector_store %arg15[%parallel_loop3A_150], %parallel_loop3A_149 {strides = array<i32>} : memref<800xf32, #tpu.memory_space<vmem>>, vector<16xf32>,
      } {sc.loop_unroll_factor = 4 : i64, sc.parallel_access}
      %dma_wait3A_115 = arith.constant 0 : i32
      %dma_wait3A_116 = arith.constant 0 : i32
      %dma_wait3A_117 = tpu.memref_slice %arg8[%dma_wait3A_115, %dma_wait3A_116] : memref<100000x8xf32, #tpu.memory_space<vmem_shared>> -> memref<100000x8xf32, #tpu.memory_space<vmem_shared>>
      tpu.wait_indirect_dma semaphore(%arg23 : memref<!tpu.dma_semaphore, #tpu.memory_space<semaphore_mem>>) src(%dma_wait3A_117 : memref<100000x8xf32, #tpu.memory_space<vmem_shared>>) dst(%arg18 : memref<800x8xf32, #tpu.memory_space<vmem>>)
      %dma_wait3A_118 = arith.constant 0 : i32
      %dma_wait3A_119 = arith.constant 0 : i32
      %dma_wait3A_120 = tpu.memref_slice %arg8[%dma_wait3A_118, %dma_wait3A_119] : memref<100000x8xf32, #tpu.memory_space<vmem_shared>> -> memref<100000x8xf32, #tpu.memory_space<vmem_shared>>
      tpu.wait_indirect_dma semaphore(%arg23 : memref<!tpu.dma_semaphore, #tpu.memory_space<semaphore_mem>>) src(%dma_wait3A_120 : memref<100000x8xf32, #tpu.memory_space<vmem_shared>>) dst(%arg19 : memref<800x8xf32, #tpu.memory_space<vmem>>)
      %parallel_loop3A_121 = arith.constant 0 : i32
      %parallel_loop3A_122 = arith.constant 400 : i32
      %parallel_loop3A_123 = arith.constant 1 : i32
      scf.for %parallel_loop3A_142 = %parallel_loop3A_121 to %parallel_loop3A_122 step %parallel_loop3A_123  : i32 {
        %parallel_loop3A_143 = arith.constant 2 : i32
        %parallel_loop3A_144 = arith.muli %parallel_loop3A_142, %parallel_loop3A_143 : i32
        %parallel_loop3A_145 = vector.broadcast %parallel_loop3A_144 : i32 to vector<16xi32>
        %parallel_loop3A_146 = arith.addi %parallel_loop3A_145, %select_n3A : vector<16xi32>
        %parallel_loop3A_147 = tpu.vector_load_idx %arg15[%parallel_loop3A_146] : memref<800xf32, #tpu.memory_space<vmem>>[vector<16xi32>], vector<16xf32>,
        %parallel_loop3A_148 = tpu.vector_load_idx %arg18[%parallel_loop3A_146, %sub3A_29] : memref<800x8xf32, #tpu.memory_space<vmem>>[vector<16xi32>, vector<16xi32>], vector<16xf32>,
        %parallel_loop3A_149 = arith.mulf %parallel_loop3A_148, %parallel_loop3A_147 : vector<16xf32>
        tpu.vector_store_idx %arg18[%parallel_loop3A_146, %sub3A_29], %parallel_loop3A_149 : memref<800x8xf32, #tpu.memory_space<vmem>>[vector<16xi32>, vector<16xi32>], vector<16xf32>,
        %parallel_loop3A_150 = tpu.vector_load_idx %arg19[%parallel_loop3A_146, %sub3A_29] : memref<800x8xf32, #tpu.memory_space<vmem>>[vector<16xi32>, vector<16xi32>], vector<16xf32>,
        %parallel_loop3A_151 = arith.mulf %parallel_loop3A_150, %parallel_loop3A_147 : vector<16xf32>
        tpu.vector_store_idx %arg19[%parallel_loop3A_146, %sub3A_29], %parallel_loop3A_151 : memref<800x8xf32, #tpu.memory_space<vmem>>[vector<16xi32>, vector<16xi32>], vector<16xf32>,
      } {sc.loop_unroll_factor = 4 : i64, sc.parallel_access}
      %dma_start3A_124 = arith.constant 0 : i32
      %dma_start3A_125 = arith.constant 0 : i32
      %dma_start3A_126 = tpu.memref_slice %arg9[%dma_start3A_124, %dma_start3A_125] : memref<100000x8xf32, #tpu.memory_space<vmem_shared>> -> memref<100000x8xf32, #tpu.memory_space<vmem_shared>>
      tpu.enqueue_indirect_dma source(%arg18 : memref<800x8xf32, #tpu.memory_space<vmem>>) target(%dma_start3A_126 : memref<100000x8xf32, #tpu.memory_space<vmem_shared>>) offsets(%arg16 : memref<800xi32, #tpu.memory_space<vmem>>) semaphore(%arg25 : memref<!tpu.dma_semaphore, #tpu.memory_space<semaphore_mem>>) {add = true}
      %dma_start3A_127 = arith.constant 0 : i32
      %dma_start3A_128 = arith.constant 0 : i32
      %dma_start3A_129 = tpu.memref_slice %arg9[%dma_start3A_127, %dma_start3A_128] : memref<100000x8xf32, #tpu.memory_space<vmem_shared>> -> memref<100000x8xf32, #tpu.memory_space<vmem_shared>>
      tpu.enqueue_indirect_dma source(%arg19 : memref<800x8xf32, #tpu.memory_space<vmem>>) target(%dma_start3A_129 : memref<100000x8xf32, #tpu.memory_space<vmem_shared>>) offsets(%arg17 : memref<800xi32, #tpu.memory_space<vmem>>) semaphore(%arg25 : memref<!tpu.dma_semaphore, #tpu.memory_space<semaphore_mem>>) {add = true}
      %dma_wait3A_130 = arith.constant 0 : i32
      %dma_wait3A_131 = arith.constant 0 : i32
      %dma_wait3A_132 = tpu.memref_slice %arg9[%dma_wait3A_130, %dma_wait3A_131] : memref<100000x8xf32, #tpu.memory_space<vmem_shared>> -> memref<100000x8xf32, #tpu.memory_space<vmem_shared>>
      tpu.wait_indirect_dma semaphore(%arg24 : memref<!tpu.dma_semaphore, #tpu.memory_space<semaphore_mem>>) src(%arg13 : memref<800x8xf32, #tpu.memory_space<vmem>>) dst(%dma_wait3A_132 : memref<100000x8xf32, #tpu.memory_space<vmem_shared>>)
      %dma_wait3A_133 = arith.constant 0 : i32
      %dma_wait3A_134 = arith.constant 0 : i32
      %dma_wait3A_135 = tpu.memref_slice %arg9[%dma_wait3A_133, %dma_wait3A_134] : memref<100000x8xf32, #tpu.memory_space<vmem_shared>> -> memref<100000x8xf32, #tpu.memory_space<vmem_shared>>
      tpu.wait_indirect_dma semaphore(%arg24 : memref<!tpu.dma_semaphore, #tpu.memory_space<semaphore_mem>>) src(%arg14 : memref<800x8xf32, #tpu.memory_space<vmem>>) dst(%dma_wait3A_135 : memref<100000x8xf32, #tpu.memory_space<vmem_shared>>)
      %add3A_136 = arith.constant 1 : i32
      %add3A_137 = arith.addi %scan3A_53, %add3A_136 : i32
      %lt3A = arith.constant 125 : i32
      %lt3A_138 = arith.cmpi slt, %add3A_137, %lt3A : i32
      %convert_element_type3A_139 = arith.extui %lt3A_138 : i1 to i32
      %cond3A_140 = arith.constant 0 : i32
      %cond3A_141 = arith.cmpi ne, %convert_element_type3A_139, %cond3A_140 : i32
      scf.if %cond3A_141 {
        %mul3A_142 = arith.constant 2 : i32
        %mul3A_143 = arith.muli %mul3A_142, %scan3A_53 : i32
        %add3A_144 = arith.constant 2 : i32
        %add3A_145 = arith.addi %mul3A_143, %add3A_144 : i32
        %mul3A_146 = arith.constant 800 : i32
        %mul3A_147 = arith.muli %add3A_145, %mul3A_146 : i32
        %add3A_148 = arith.addi %mul3A_31, %mul3A_147 : i32
        %dma_start3A_149 = tpu.memref_slice %arg3[%add3A_148] : memref<6400000xi32, #tpu.memory_space<hbm>> -> memref<800xi32, #tpu.memory_space<hbm>>
        %dma_start3A_150 = tpu.memref_slice %arg3[%add3A_148] : memref<6400000xi32, #tpu.memory_space<hbm>> -> memref<800xi32, #tpu.memory_space<hbm>>
        tpu.enqueue_dma source(%dma_start3A_150 : memref<800xi32, #tpu.memory_space<hbm>>) target(%arg11 : memref<800xi32, #tpu.memory_space<vmem>>) target_semaphore(%arg20 : memref<!tpu.dma_semaphore, #tpu.memory_space<semaphore_mem>>)
        %dma_start3A_151 = tpu.memref_slice %arg4[%add3A_148] : memref<6400000xi32, #tpu.memory_space<hbm>> -> memref<800xi32, #tpu.memory_space<hbm>>
        %dma_start3A_152 = tpu.memref_slice %arg4[%add3A_148] : memref<6400000xi32, #tpu.memory_space<hbm>> -> memref<800xi32, #tpu.memory_space<hbm>>
        tpu.enqueue_dma source(%dma_start3A_152 : memref<800xi32, #tpu.memory_space<hbm>>) target(%arg12 : memref<800xi32, #tpu.memory_space<vmem>>) target_semaphore(%arg20 : memref<!tpu.dma_semaphore, #tpu.memory_space<semaphore_mem>>)
        %dma_start3A_153 = tpu.memref_slice %arg5[%add3A_148] : memref<6400000xf32, #tpu.memory_space<hbm>> -> memref<800xf32, #tpu.memory_space<hbm>>
        %dma_start3A_154 = tpu.memref_slice %arg5[%add3A_148] : memref<6400000xf32, #tpu.memory_space<hbm>> -> memref<800xf32, #tpu.memory_space<hbm>>
        tpu.enqueue_dma source(%dma_start3A_154 : memref<800xf32, #tpu.memory_space<hbm>>) target(%arg10 : memref<800xf32, #tpu.memory_space<vmem>>) target_semaphore(%arg20 : memref<!tpu.dma_semaphore, #tpu.memory_space<semaphore_mem>>)
      } else {
      }
    }
    %scan3A_41 = arith.constant 125 : i32
    %dma_wait3A = arith.constant 0 : i32
    %dma_wait3A_42 = arith.constant 0 : i32
    %dma_wait3A_43 = tpu.memref_slice %arg9[%dma_wait3A, %dma_wait3A_42] : memref<100000x8xf32, #tpu.memory_space<vmem_shared>> -> memref<100000x8xf32, #tpu.memory_space<vmem_shared>>
    tpu.wait_indirect_dma semaphore(%arg25 : memref<!tpu.dma_semaphore, #tpu.memory_space<semaphore_mem>>) src(%arg18 : memref<800x8xf32, #tpu.memory_space<vmem>>) dst(%dma_wait3A_43 : memref<100000x8xf32, #tpu.memory_space<vmem_shared>>)
    %dma_wait3A_44 = arith.constant 0 : i32
    %dma_wait3A_45 = arith.constant 0 : i32
    %dma_wait3A_46 = tpu.memref_slice %arg9[%dma_wait3A_44, %dma_wait3A_45] : memref<100000x8xf32, #tpu.memory_space<vmem_shared>> -> memref<100000x8xf32, #tpu.memory_space<vmem_shared>>
    tpu.wait_indirect_dma semaphore(%arg25 : memref<!tpu.dma_semaphore, #tpu.memory_space<semaphore_mem>>) src(%arg19 : memref<800x8xf32, #tpu.memory_space<vmem>>) dst(%dma_wait3A_46 : memref<100000x8xf32, #tpu.memory_space<vmem_shared>>)
    %barrier3A_47 = arith.constant 0 : index
    tpu.barrier barrier_id(%barrier3A_47)
    %eq3A_48 = arith.constant 0 : i32
    %eq3A_49 = arith.cmpi eq, %arg1, %eq3A_48 : i32
    %convert_element_type3A_50 = arith.extui %eq3A_49 : i1 to i32
    %cond3A_51 = arith.constant 0 : i32
    %cond3A_52 = arith.cmpi ne, %convert_element_type3A_50, %cond3A_51 : i32
    scf.if %cond3A_52 {
      %mul3A_53 = arith.constant 100000 : i32
      %mul3A_54 = arith.muli %arg0, %mul3A_53 : i32
      "tpu.region"() ({
        %run_scoped3A = tpu.sem_alloc : memref<!tpu.dma_semaphore, #tpu.memory_space<semaphore_mem>>
        %dma_start3A_55 = arith.constant 0 : i32
        %dma_start3A_56 = tpu.memref_slice %arg7[%mul3A_54, %dma_start3A_55] : memref<200000x8xf32, #tpu.memory_space<hbm>> -> memref<100000x8xf32, #tpu.memory_space<hbm>>
        tpu.enqueue_dma source(%arg9 : memref<100000x8xf32, #tpu.memory_space<vmem_shared>>) target(%dma_start3A_56 : memref<100000x8xf32, #tpu.memory_space<hbm>>) target_semaphore(%run_scoped3A : memref<!tpu.dma_semaphore, #tpu.memory_space<semaphore_mem>>)
        %dma_wait3A_57 = arith.constant 0 : i32
        %dma_wait3A_58 = tpu.memref_slice %arg7[%mul3A_54, %dma_wait3A_57] : memref<200000x8xf32, #tpu.memory_space<hbm>> -> memref<100000x8xf32, #tpu.memory_space<hbm>>
        tpu.wait_dma2 semaphore(%run_scoped3A : memref<!tpu.dma_semaphore, #tpu.memory_space<semaphore_mem>>) src(%arg9 : memref<100000x8xf32, #tpu.memory_space<vmem_shared>>) dst(%dma_wait3A_58 : memref<100000x8xf32, #tpu.memory_space<hbm>>)
        tpu.yield
      }) : () -> ()
    } else {
    }
    return
  }
}

</mosaic_0001>

<sc_bundles>
// kernel: kernel.3.cloned.1.call-start
scs
__scs_entry_jumppad:
0x0: {  	(pc) =	sbr.rel $0x88, $3  }
0x1: {  	(tag) =	ssettag $0x0;
	lr =	simm.s32 $0x1  }
0x2: {  	[smem:$0x3F9E] =	sst lr;
	_ =	strace $0xD0000000  }
0x3: {  	_ = 	snop  }
0x4: {  	_ = 	snop  }
0x5: {  	_ = 	snop  }
0x6: {  	_ = 	snop  }
0x7: {  	_ = 	snop  }
__scs_overlays_trampoline_lowered:
0x8: {  	[smem:$0x3FAD] =	sst s0  }
0x9: {  	[smem:$0x3FAE] =	sst s1  }
0xa: {  	[smem:$0x3FAF] =	sst s2  }
0xb: {  	[smem:$0x3FB0] =	sst s3  }
0xc: {  	[smem:$0x3FB1] =	sst s4  }
0xd: {  	[smem:$0x3FB2] =	sst s5  }
0xe: {  	[smem:$0x3FB3] =	sst s6  }
0xf: {  	[smem:$0x3FB4] =	sst s7  }
0x10: {  	[smem:$0x3FB5] =	sst s8  }
0x11: {  	[smem:$0x3FB6] =	sst s9;
	s0 =	simm.s32 @!p0 $0x0  }
0x12: {  	s1 =	sld [smem:$0x3F9C];
	s0 =	simm.s32 @p0 $0x1  }
0x13: {  	[smem:$0x3FB7] =	sst s0;
	s0 =	simm.s32 @!p1 $0x0  }
0x14: {  	s2 =	sld [smem:$0x3F9B];
	s0 =	simm.s32 @p1 $0x1  }
0x15: {  	[smem:$0x3FB8] =	sst s0;
	s0 =	simm.s32 @!p2 $0x0  }
0x16: {  	s3 =	sld [smem:$0x3FDB];
	s0 =	simm.s32 @p2 $0x1  }
0x17: {  	s4 =	simm.s32 $0x1BF5;
	[smem:$0x3FBA] =	sst s0  }
0x18: {  	s0 =	sld [smem:$0x3F9D];
	_ =	swait.ge [sflag:s4], $0x0  }
0x19: {  	s7 =	sld [smem:$0x3F9E]  }
0x1a: {  	s8 =	sadd.s32 $0xFFFFE003, lr  }
0x1b: {  	s9 =	sadd.s32 $0xFFFFFEF7, lr;
	s5 =	simm.s32 $0xFFFFFFFF;
	p2 =	slt.u32 s8, $0xFFFFF086  }
0x1c: {  	p1 =	slt.u32 s9, $0xF7A;
	s5 =	simm.s32 @!p2 $0x0  }
0x1d: {  	s5 =	simm.s32 @p1 $0x1;
	p0 =	seq.s32 s7, s2  }
0x1e: {  	s7 =	smul.u32 @!p0 $0xF7A, s2;
	p2 =	seq.s32 @!p0 s5, $0x0  }
0x1f: {  	s9 =	smul.u32 $0xF7A, s1;
	s8 =	simm.s32 @!p0 $0x1BF5;
	p2 =	por !p2, p0  }
0x20: {  	[sflag:s8] =	ssyncset.s32 @!p0 $0xFFFFF086;
	s6 =	sadd.s32 @!p0 s3, s7;
	s7 =	simm.s32 @!p0 $0x108  }
0x21: {  	s3 =	sadd.s32 s3, s9;
	s6 =	sadd.s32 @!p0 $0x88, s6;
	s7 =	simm.s32 @p2 $0x1082  }
0x22: {  	[simem:s7], [sflag:s8] =	dma.local @!p0 [hbm:s6], $0xF7A  }
0x23: {  	s9 =	sor.u32 $0xD0000000, s2;
	s6 =	simm.s32 $0x108;
	_ =	swait.ge @!p0 [sflag:s8], $0x0  }
0x24: {  	s3 =	sadd.s32 $0x88, s3;
	s6 =	simm.s32 @!p1 $0x1082;
	[sflag:s4] =	ssyncset.s32 $0xFFFFF086  }
0x25: {  	[simem:s6], [sflag:s4] =	dma.local [hbm:s3], $0xF7A  }
0x26: {  	[smem:$0x3F9E] =	sst s1;
	(tag) =	ssettag s2;
	_ =	strace s9  }
0x27: {  	s1 =	sld [smem:$0x3FAE]  }
0x28: {  	s2 =	sld [smem:$0x3FAF]  }
0x29: {  	s4 =	sld [smem:$0x3FB1]  }
0x2a: {  	p0 =	seq.s32 s5, $0x0;
	s5 =	sld [smem:$0x3FB2]  }
0x2b: {  	s6 =	sld [smem:$0x3FB3]  }
0x2c: {  	s7 =	sld [smem:$0x3FB4]  }
0x2d: {  	s3 =	simm.s32 $0x108;
	s8 =	sld [smem:$0x3FB5]  }
0x2e: {  	s3 =	simm.s32 @!p0 $0x1082;
	s9 =	sld [smem:$0x3FB6]  }
0x2f: {  	lr =	sadd.s32 s0, s3;
	s0 =	sld [smem:$0x3FAD]  }
0x30: {  	s3 =	sld [smem:$0x3FB0]  }
0x31: {  	[smem:$0x3FB9] =	sst s10  }
0x32: {  	s10 =	sld [smem:$0x3FB7];
	_ =	sdelay $0x3  }
0x33: {  	p0 =	seq.s32 s10, $0x1;
	s10 =	sld [smem:$0x3FB9];
	_ =	sdelay $0x3  }
0x34: {  	[smem:$0x3FB9] =	sst s10  }
0x35: {  	s10 =	sld [smem:$0x3FB8];
	_ =	sdelay $0x3  }
0x36: {  	p1 =	seq.s32 s10, $0x1;
	s10 =	sld [smem:$0x3FB9];
	_ =	sdelay $0x3  }
0x37: {  	[smem:$0x3FB9] =	sst s10  }
0x38: {  	s10 =	sld [smem:$0x3FBA]  }
0x39: {  	_ = 	snop;
	(pc) =	sbr.ind lr, $3  }
0x3a: {  	_ = 	snop  }
0x3b: {  	_ = 	snop  }
0x3c: {  	p2 =	seq.s32 s10, $0x1;
	s10 =	sld [smem:$0x3FB9]  }
0x3d: {  	_ =	shalt  }
0x3e: {  	_ =	shalt  }
0x3f: {  	_ =	shalt  }
0x40: {  	_ =	shalt  }
0x41: {  	_ =	shalt  }
0x42: {  	_ =	shalt  }
0x43: {  	_ =	shalt  }
0x44: {  	_ =	shalt  }
0x45: {  	_ =	shalt  }
0x46: {  	_ =	shalt  }
0x47: {  	_ =	shalt  }
0x48: {  	_ =	shalt  }
0x49: {  	_ =	shalt  }
0x4a: {  	_ =	shalt  }
0x4b: {  	_ =	shalt  }
0x4c: {  	_ =	shalt  }
0x4d: {  	_ =	shalt  }
0x4e: {  	_ =	shalt  }
0x4f: {  	_ =	shalt  }
0x50: {  	_ =	shalt  }
0x51: {  	_ =	shalt  }
0x52: {  	_ =	shalt  }
0x53: {  	_ =	shalt  }
0x54: {  	_ =	shalt  }
0x55: {  	_ =	shalt  }
0x56: {  	_ =	shalt  }
0x57: {  	_ =	shalt  }
0x58: {  	_ =	shalt  }
0x59: {  	_ =	shalt  }
0x5a: {  	_ =	shalt  }
0x5b: {  	_ =	shalt  }
0x5c: {  	_ =	shalt  }
0x5d: {  	_ =	shalt  }
0x5e: {  	_ =	shalt  }
0x5f: {  	_ =	shalt  }
0x60: {  	_ =	shalt  }
0x61: {  	_ =	shalt  }
0x62: {  	_ =	shalt  }
0x63: {  	_ =	shalt  }
0x64: {  	_ =	shalt  }
0x65: {  	_ =	shalt  }
0x66: {  	_ =	shalt  }
0x67: {  	_ =	shalt  }
0x68: {  	_ =	shalt  }
0x69: {  	_ =	shalt  }
0x6a: {  	_ =	shalt  }
0x6b: {  	_ =	shalt  }
0x6c: {  	_ =	shalt  }
0x6d: {  	_ =	shalt  }
0x6e: {  	_ =	shalt  }
0x6f: {  	_ =	shalt  }
0x70: {  	_ =	shalt  }
0x71: {  	_ =	shalt  }
0x72: {  	_ =	shalt  }
0x73: {  	_ =	shalt  }
0x74: {  	_ =	shalt  }
0x75: {  	_ =	shalt  }
0x76: {  	_ =	shalt  }
0x77: {  	_ =	shalt  }
0x78: {  	_ =	shalt  }
0x79: {  	_ =	shalt  }
0x7a: {  	_ =	shalt  }
0x7b: {  	_ =	shalt  }
0x7c: {  	_ =	shalt  }
0x7d: {  	_ =	shalt  }
0x7e: {  	_ =	shalt  }
0x7f: {  	_ =	shalt  }
0x80: {  	_ =	shalt  }
0x81: {  	_ =	shalt  }
0x82: {  	_ =	shalt  }
0x83: {  	_ =	shalt  }
0x84: {  	_ =	shalt  }
0x85: {  	_ =	shalt  }
0x86: {  	_ =	shalt  }
0x87: {  	_ =	shalt  }
.Lfunc_end0:
.L_simem_size_0:
called_computation_lowered:
.L_overlay_start_0:
0x88: {  	s2 =	sld [smem:$0x3FD9]  }
0x89: {  	s3 =	sld [smem:$0x3FFE];
	_ =	sdelay $0x1  }
0x8a: {  	s1 =	srdreg.scid  }
0x8b: {  	s0 =	sand.u32 $0x1, s1  }
0x8c: {  	s17 =	sshll.u32 s0, $0xA;
	s2 =	sadd.s32 s3, s2  }
0x8d: {  	s2 =	sadd.s32 s2, s17  }
0x8e: {  	[smem:$0x3FC5] =	sst s2  }
0x8f: {  	_ = 	snop  }
0x90: {  	s2 =	sld [smem:$0x3FC7];
	(tm) =	ssettm $0x1  }
0x91: {  	s18 =	sld [smem:$0x3FFB];
	_ =	sdelay $0x3  }
0x92: {  	_ =	strace s18  }
0x93: {  	s3 =	sld [smem:$0x3FFC];
	_ =	sdelay $0x3  }
0x94: {  	_ =	strace s3  }
0x95: {  	s3 =	sld [smem:$0x3FFD];
	_ =	sdelay $0x3  }
0x96: {  	_ =	strace s3  }
0x97: {  	_ =	strace $0x8FFFFFFF  }
0x98: {  	s19 =	sld [smem:$0x3FDB];
	_ =	sdelay $0x1  }
0x99: {  	s4 =	simm.s32 $_scs_section_size  }
0x9a: {  	s5 =	simm.s32 $_size__tile_overlayer_lowered;
	s6 =	simm.s32 $_tile_overlayer_lowered  }
0x9b: {  	s22 =	simm.s32 $0x1BFF;
	s21 =	sshll.u32 s6, $0x1;
	s3 =	sadd.s32 s4, s19  }
0x9c: {  	s7 =	simm.s32 $0x0;
	s20 =	sshll.u32 s5, $0x1;
	s5 =	sadd.s32 s21, s3  }
0x9d: {  	[timem:s7], [sflag:s22] =	dma.local [hbm:s5], s20  }
0x9e: {  	_ =	swait.ge [sflag:s22], s20  }
0x9f: {  	s4 =	ssub.s32 $0x0, s20;
	[sflag:s22] =	ssyncset.done $0x0  }
0xa0: {  	[sflag:s22] =	ssyncadd.s32 s4;
	_ =	sdelay $0x1  }
0xa1: {  	s23 =	simm.s32 $0x1B8B  }
0xa2: {  	_ =	swait.ge [sflag:s23], $0x1  }
0xa3: {  	[sflag:s23] =	ssyncset.done $0x0  }
0xa4: {  	s25 =	simm.s32 $0x1B8E;
	s24 =	sld [smem:$0x3FFE];
	[sflag:s23] =	ssyncadd.s32 $0xFFFFFFFF  }
0xa5: {  	s26 =	simm.s32 $execute0_lowered;
	[smem:$0x3FD2] =	sst s25  }
0xa6: {  	s5 =	sshll.u32 s26, $0x1;
	_ =	strace $0x80000046;
	[dreg:$0x1] =	wrdreg $0xFFFFFFFF  }
0xa7: {  	s28 =	simm.s32 $_size_execute0_lowered;
	s3 =	sadd.s32 s3, s5;
	[dreg:$0x0] =	wrdreg $0x0  }
0xa8: {  	s5 =	sshll.u32 s28, $0x1;
	[dreg:$0x2] =	wrdreg s3  }
0xa9: {  	[dreg:$0x3] =	wrdreg s5  }
0xaa: {  	[dreg:$0x4] =	wrdreg $0xC0  }
0xab: {  	_ =	task [dreg:s7], $0x5FFFF  }
0xac: {  	[dreg:$0x1] =	wrdreg $0xFFFFFFFF  }
0xad: {  	[dreg:$0x0] =	wrdreg $0x60  }
0xae: {  	[dreg:$0x2] =	wrdreg s24  }
0xaf: {  	[dreg:$0x3] =	wrdreg s2  }
0xb0: {  	[dreg:$0x4] =	wrdreg $0x0  }
0xb1: {  	[dreg:$0x5] =	wrdreg $0xC3500  }
0xb2: {  	[dreg:$0x6] =	wrdreg $0x9  }
0xb3: {  	_ =	task.clear_ibuf [dreg:s7], $0x7FFFF;
	_ =	strace $0x90000046  }
0xb4: {  	s29 =	simm.s32 $0x9;
	_ =	strace $0x80000048  }
0xb5: {  	_ =	swait.ge [sflag:s29], $0x1  }
0xb6: {  	[sflag:s29] =	ssyncadd.s32 $0xFFFFFFFF  }
0xb7: {  	_ =	strace $0x90000048  }
0xb8: {  	_ =	sfence  }
0xb9: {  	s30 =	sld [smem:$0x0];
	_ =	sdelay $0x2  }
0xba: {  	s31 =	sshll.u32 s1, $0xD;
	s1 =	sshrl.u32 s1, $0x2  }
0xbb: {  	s3 =	sand.u32 $0x4000, s31;
	s1 =	sadd.s32 s1, s30  }
0xbc: {  	s0 =	sor.u32 s3, s0;
	s1 =	sshll.u32 s1, $0x11  }
0xbd: {  	s0 =	sor.u32 s1, s0  }
0xbe: {  	s0 =	sadd.s32 $0x8F2B, s0  }
0xbf: {  	[sflag:s0] =	ssyncadd.remote.s32 $0x1  }
0xc0: {  	_ =	sfence.sel $0xFFFF  }
0xc1: {  	[dreg:$0x0] =	wrdreg $0xFFFFFFFF;
	(pc) =	sbr.abs _section_cstart, $3  }
0xc2: {  	[dreg:$0x1] =	wrdreg $0xFFFFFFFF  }
0xc3: {  	_ =	task.clear_ibuf [dreg:s7], $0x2FFFF;
	_ =	strace $0x9FFFFFFF  }
0xc4: {  	(tm) =	ssettm $0x7FFFFFFF  }
0xc5: {  	_ =	shalt  }
tec
execute0_lowered:
.L_overlay_start_1:
0x0: {  	(tag) =	ssettag $0x1  }
0x1: {  	s0 =	rddreg [dreg:$0x0]  }
0x2: {  	s1 =	rddreg [dreg:$0x1]  }
0x3: {  	s2 =	rddreg [dreg:$0x2]  }
0x4: {  	s3 =	rddreg [dreg:$0x3];
	s5 =	srdreg.scid  }
0x5: {  	s4 =	simm.s32 $0x0;
	s8 =	stileid.u32;
	s18 =	simm.s32 $0x189C0  }
0x6: {  	s19 =	simm.s32 $0x18CE0;
	s20 =	simm.s32 $0x186A0;
	s28 =	simm.s32 $0x1C840  }
0x7: {  	s29 =	simm.s32 $0x1C200;
	s30 =	simm.s32 $0x2;
	s31 =	simm.s32 $0x1CB60  }
0x8: {  	s5 =	sand.u32 $0x1, s5;
	[smem:$0x7FF] =	sst s4;
	s21 =	sadd.s32 $0x600, s0  }
0x9: {  	s11 =	sadd.s32 $0x19FA00, s0;
	p0 =	sne.s32 s8, $0x0;
	s6 =	sshll.u32 s5, $0x4  }
0xa: {  	_ =	strace $0x80000047;
	[dreg:$0x5] =	wrdreg s21;
	s10 =	smul.u32 $0x186A0, s5  }
0xb: {  	s5 =	ssub.s32 $0x2, s5;
	[dreg:$0x6] =	wrdreg s11;
	s14 =	sshrl.u32 @!p0 s3, $0x3  }
0xc: {  	s21 =	simm.s32 $0x1;
	s11 =	simm.s32 $0x0;
	s7 =	sor.u32 s8, s6  }
0xd: {  	s6 =	sadd.s32 $0xDC400, s0;
	s22 =	sshrl.u32 s5, $0x1;
	s8 =	simm.s32 $0x5  }
0xe: {  	s9 =	smul.u32 $0x30D40, s7;
	s7 =	sadd.s32 $0x18E00, s0;
	s0 =	sadd.s32 s10, s0  }
0xf: {  	[dreg:$0xd] =	wrdreg s14;
	s5 =	ssub.s32 s5, s22;
	s0 =	sadd.s32 $0x1B8200, s0  }
0x10: {  	s22 =	simm.s32 $0x320;
	s26 =	smax.u32 s5, $0x1;
	[dreg:$0xa] =	wrdreg s0  }
0x11: {  	s12 =	sshrl.u32 s9, $0x3;
	[dreg:$0xb] =	wrdreg s26;
	s0 =	sshrl.u32 @!p0 s2, $0x3  }
0x12: {  	s5 =	simm.s32 $0x4;
	s23 =	sadd.s32 s6, s12;
	[dreg:$0xc] =	wrdreg s0  }
0x13: {  	s13 =	sadd.s32 $0x640, s9;
	s24 =	sadd.s32 s7, s12;
	[dreg:$0x7] =	wrdreg s23  }
0x14: {  	s26 =	simm.s32 $0x1C520;
	s25 =	sadd.s32 s1, s12;
	[dreg:$0x8] =	wrdreg s24  }
0x15: {  	v1 =	vlaneseq.u32;
	s12 =	sadd.s32 $0x320, s9;
	s0 =	simm.s32 $0x1E460;
	[dreg:$0x9] =	wrdreg s25  }
0x16: {  	v0 =	vshrl.u32 v1, $0x3;
	v1 =	vand.u32 $0x7, v1;
	s23 =	simm.s32 $0x19000;
	s24 =	simm.s32 $0x1A900;
	s25 =	simm.s32 $0x3  }
.LBB2_1:
0x17: {  	[dreg:$0xe] =	wrdreg s11  }
0x18: {  	s10 =	rddreg [dreg:$0x5]  }
0x19: {  	s9 =	simm.s32 @!p0 $0x1C07;
	s11 =	rddreg [dreg:$0xc]  }
0x1a: {  	[spmem:s11], [sflag:s9] =	dma.local @!p0 [hbm:s10], $0x186A0  }
0x1b: {  	s10 =	simm.s32 @!p0 $0x7  }
0x1c: {  	_ =	swait.ge @!p0 [sflag:s10], $0x186A0  }
0x1d: {  	[sflag:s10] =	ssyncset.done @!p0 $0x0  }
0x1e: {  	s11 =	rddreg [dreg:$0x6];
	[sflag:s10] =	ssyncadd.s32 @!p0 $0xFFFE7960  }
0x1f: {  	[spmem:s14], [sflag:s9] =	dma.local @!p0 [hbm:s11], $0x186A0  }
0x20: {  	_ =	swait.ge @!p0 [sflag:s10], $0x186A0  }
0x21: {  	[sflag:s10] =	ssyncset.done @!p0 $0x0  }
0x22: {  	[sflag:s10] =	ssyncadd.s32 @!p0 $0xFFFE7960  }
0x23: {  	[bflag:$0x0] =	sbarrier.arrive $0xFFFF  }
0x24: {  	s15 =	rddreg [dreg:$0x7]  }
0x25: {  	[tilespmem:s18], [sflag:$0x1] =	stream.linear.gather [hbm4b:s15+s4], $0x320, $0x38;
	[tilespmem:$0x1FD60] =	vst v63  }
0x26: {  	s16 =	rddreg [dreg:$0x8]  }
0x27: {  	[tilespmem:s19], [sflag:$0x1] =	stream.linear.gather [hbm4b:s16+s4], $0x320, $0x38;
	[tilespmem:$0x1FD60] =	vst v63  }
0x28: {  	s11 =	simm.s32 $0x0;
	s17 =	rddreg [dreg:$0x9]  }
0x29: {  	[tilespmem:s20], [sflag:$0x1] =	stream.linear.gather [hbm4b:s17+s4], $0x320, $0x38;
	[tilespmem:$0x1FD60] =	vst v63  }
.LBB2_2:
0x2a: {  	_ =	swait.ge [sflag:s21], $0x320  }
0x2b: {  	[sflag:s21] =	ssyncset.done $0x0  }
0x2c: {  	[sflag:s21] =	ssyncadd.s32 $0xFFFFFCE0  }
0x2d: {  	_ =	swait.ge [sflag:s21], $0x320  }
0x2e: {  	[sflag:s21] =	ssyncset.done $0x0  }
0x2f: {  	[sflag:s21] =	ssyncadd.s32 $0xFFFFFCE0  }
0x30: {  	_ =	swait.ge [sflag:s21], $0x320  }
0x31: {  	[sflag:s21] =	ssyncset.done $0x0  }
0x32: {  	[sflag:s21] =	ssyncadd.s32 $0xFFFFFCE0  }
0x33: {  	[tilespmem:s23], [sflag:$0x3] =	stream.indirect.gather [spmem:s2], $0x8, s19, s22, $0xb8;
	[tilespmem:$0x1FD60] =	vst v63  }
0x34: {  	s16 =	simm.s32 $0x186C0  }
0x35: {  	[tilespmem:s24], [sflag:$0x3] =	stream.indirect.gather [spmem:s2], $0x8, s18, s22, $0xb8;
	[tilespmem:$0x1FD60] =	vst v63  }
0x36: {  	v2 =	vld [tilespmem:s16+$0x0];
	_ =	sdelay $0x1  }
0x37: {  	v3 =	vld [tilespmem:s16+$0xFFFFFFE0]  }
0x38: {  	v4 =	vld [tilespmem:s16+$0xFFFFFFF0];
	_ =	sdelay $0x1  }
0x39: {  	v5 =	vld [tilespmem:s16+$0x10];
	(erf) = vrcp.f32 v2;
	_ =	sdelay $0x1  }
0x3a: {  	s15 =	simm.s32 $0x18700;
	(erf) = vrcp.f32 v3  }
0x3b: {  	v2 =	vld [tilespmem:s15+$0x0];
	(erf) = vrcp.f32 v4  }
0x3c: {  	v3 =	vld [tilespmem:s15+$0xFFFFFFE0]  }
0x3d: {  	v4 =	vld [tilespmem:s15+$0xFFFFFFF0];
	(erf) = vrcp.f32 v5  }
0x3e: {  	s14 =	simm.s32 $0x18740;
	v5 =	vld [tilespmem:s15+$0x10]  }
0x3f: {  	v6 =	vld [tilespmem:s14+$0x0]  }
0x40: {  	(erf) = vrcp.f32 v2  }
0x41: {  	(erf) = vrcp.f32 v3;
	v3 =	vpop (erf)  }
0x42: {  	(erf) = vrcp.f32 v4;
	v7 =	vmul.f32 $5.000000000e-01, v3  }
0x43: {  	v2 =	vld [tilespmem:s14+$0xFFFFFFE0];
	v4 =	vpop (erf);
	(erf) = vrcp.f32 v5  }
0x44: {  	v3 =	vld [tilespmem:s14+$0xFFFFFFF0];
	v8 =	vpop (erf);
	(erf) = vrcp.f32 v6  }
0x45: {  	v5 =	vmul.f32 $5.000000000e-01, v4;
	v4 =	vld [tilespmem:s14+$0x10]  }
0x46: {  	s17 =	simm.s32 $0x8;
	s9 =	simm.s32 $0x18780;
	v6 =	vmul.f32 $5.000000000e-01, v8;
	[tilespmem:s16+$0x0] =	vst v7;
	v7 =	vpop (erf)  }
.LBB2_3:
0x47: {  	s17 =	sadd.s32 $0x4, s17  }
0x48: {  	v8 =	vld [tilespmem:s9+$0x0];
	(erf) = vrcp.f32 v2;
	[tilespmem:s16+$0xFFFFFFE0] =	vst v5;
	v9 =	vmul.f32 $5.000000000e-01, v7;
	p1 =	slt.u32 s17, $0x2C  }
.Ltmp0:
0x49: {  	v2 =	vld [tilespmem:s9+$0xFFFFFFE0];
	(erf) = vrcp.f32 v3;
	[tilespmem:s16+$0xFFFFFFF0] =	vst v6;
	(pc) =	sbr.rel @p1 .LBB2_3-.Ltmp0, $4  }
0x4a: {  	v3 =	vld [tilespmem:s9+$0xFFFFFFF0];
	(erf) = vrcp.f32 v4;
	v6 =	vpop (erf);
	[tilespmem:s16+$0x10] =	vst v9;
	s16 =	smov.u32 s15;
	s15 =	smov.u32 s14;
	s14 =	smov.u32 s9  }
0x4b: {  	v4 =	vld [tilespmem:s9+$0x10];
	v9 =	vmul.f32 $5.000000000e-01, v6;
	v5 =	vpop (erf)  }
0x4c: {  	v5 =	vmul.f32 $5.000000000e-01, v5;
	v6 =	vpop (erf)  }
0x4d: {  	s9 =	sadd.s32 $0x40, s9;
	(erf) = vrcp.f32 v8;
	v6 =	vmul.f32 $5.000000000e-01, v6;
	[tilespmem:s16+$0x0] =	vst v9;
	v7 =	vpop (erf)  }
0x4e: {  	_ = 	snop  }
0x4f: {  	(erf) = vrcp.f32 v2  }
0x50: {  	(erf) = vrcp.f32 v3;
	v3 =	vpop (erf)  }
0x51: {  	v3 =	vmul.f32 $5.000000000e-01, v3  }
0x52: {  	v2 =	vmul.f32 $5.000000000e-01, v7;
	(erf) = vrcp.f32 v4  }
0x53: {  	v60 =	vpop (erf)  }
0x54: {  	[tilespmem:s16+$0x10] =	vst v2;
	v2 =	vmul.f32 $5.000000000e-01, v60;
	v61 =	vpop (erf)  }
0x55: {  	[tilespmem:s15+$0x0] =	vst v3;
	v3 =	vpop (erf)  }
0x56: {  	[tilespmem:s15+$0xFFFFFFE0] =	vst v2;
	v2 =	vmul.f32 $5.000000000e-01, v3;
	v3 =	vpop (erf)  }
0x57: {  	[tilespmem:s16+$0xFFFFFFE0] =	vst v5;
	v4 =	vmul.f32 $5.000000000e-01, v61;
	v3 =	vmul.f32 $5.000000000e-01, v3  }
0x58: {  	[tilespmem:s16+$0xFFFFFFF0] =	vst v6  }
0x59: {  	[tilespmem:s15+$0xFFFFFFF0] =	vst v4;
	v62 =	vpop (erf)  }
0x5a: {  	[tilespmem:s15+$0x10] =	vst v2;
	v2 =	vmul.f32 $5.000000000e-01, v62;
	v63 =	vpop (erf)  }
0x5b: {  	v4 =	vmul.f32 $5.000000000e-01, v63;
	[tilespmem:s14+$0x0] =	vst v3;
	v3 =	vpop (erf)  }
0x5c: {  	[tilespmem:s14+$0xFFFFFFE0] =	vst v2;
	v2 =	vmul.f32 $5.000000000e-01, v3  }
0x5d: {  	[tilespmem:s14+$0xFFFFFFF0] =	vst v4  }
0x5e: {  	s9 =	simm.s32 $0x0;
	[tilespmem:s14+$0x10] =	vst v2  }
.LBB2_5:
0x5f: {  	s10 =	sshra.s32 s9, $0x2  }
0x60: {  	v2 =	vld [tilespmem:s10+$0x189A0];
	_ =	sdelay $0x4  }
0x61: {  	(erf) = vrcp.f32 v2;
	_ =	sdelay $0x6  }
0x62: {  	p1 =	sne.s32 s9, $0x40  }
.Ltmp1:
0x63: {  	_ = 	snop;
	(pc) =	sbr.rel @p1 .LBB2_5-.Ltmp1, $3  }
0x64: {  	v2 =	vpop (erf)  }
0x65: {  	v2 =	vmul.f32 $5.000000000e-01, v2;
	_ =	sdelay $0x1  }
0x66: {  	s9 =	sadd.s32 $0x40, s9;
	[tilespmem:s10+$0x189A0] =	vst v2  }
0x67: {  	s9 =	simm.s32 $0x4;
	_ =	swait.ge [sflag:s25], $0x1900  }
0x68: {  	s10 =	simm.s32 $0x2;
	v2 =	vor.u32 s9, v0;
	[sflag:s25] =	ssyncset.done $0x0  }
0x69: {  	s15 =	simm.s32 $0x6;
	v4 =	vor.u32 s10, v0;
	[sflag:s25] =	ssyncadd.s32 $0xFFFFE700  }
0x6a: {  	v6 =	vor.u32 s15, v0;
	v3 =	vshll.u32 v2, $0x3;
	_ =	swait.ge [sflag:s25], $0x1900  }
0x6b: {  	s14 =	simm.s32 $0x0;
	v12 =	vor.u32 v1, v3;
	[sflag:s25] =	ssyncset.done $0x0  }
0x6c: {  	s16 =	simm.s32 $0xA;
	s17 =	simm.s32 $0xC;
	v3 =	vor.u32 s14, v0;
	[sflag:s25] =	ssyncadd.s32 $0xFFFFE700  }
0x6d: {  	v11 =	vor.u32 s16, v0;
	v13 =	vor.u32 s17, v0;
	v7 =	vshll.u32 v4, $0x3;
	v10 =	vld.idx.msk [tilespmem:v2+s20+$0x0], $0xffff  }
0x6e: {  	v18 =	vor.u32 v1, v7;
	v7 =	vshll.u32 v11, $0x3;
	v5 =	vshll.u32 v3, $0x3;
	v19 =	vld.idx.msk [tilespmem:v4+s20+$0x0], $0xffff  }
0x6f: {  	s14 =	simm.s32 $0x8;
	v7 =	vor.u32 v1, v7;
	v17 =	vor.u32 v1, v5;
	v5 =	vshll.u32 v6, $0x3;
	v23 =	vld.idx.msk [tilespmem:v6+s20+$0x0], $0xffff  }
0x70: {  	v15 =	vor.u32 s14, v0;
	v2 =	vor.u32 v1, v5;
	v5 =	vld.idx.msk [tilespmem:v12+s23+$0x0], $0xffff  }
0x71: {  	v21 =	vld.idx.msk [tilespmem:v3+s20+$0x0], $0xffff;
	v3 =	vshll.u32 v15, $0x3  }
0x72: {  	v24 =	vld.idx.msk [tilespmem:v13+s20+$0x0], $0xffff;
	v6 =	vor.u32 v1, v3  }
0x73: {  	v4 =	vshll.u32 v13, $0x3;
	v9 =	vld.idx.msk [tilespmem:v18+s23+$0x0], $0xffff  }
0x74: {  	v4 =	vor.u32 v1, v4;
	v13 =	vld.idx.msk [tilespmem:v7+s23+$0x0], $0xffff  }
0x75: {  	s10 =	simm.s32 $0xE;
	v8 =	vld.idx.msk [tilespmem:v17+s23+$0x0], $0xffff  }
0x76: {  	v16 =	vor.u32 s10, v0;
	v14 =	vld.idx.msk [tilespmem:v2+s23+$0x0], $0xffff;
	v5 =	vmul.f32 v5, v10  }
0x77: {  	v3 =	vshll.u32 v16, $0x3;
	v22 =	vld.idx.msk [tilespmem:v6+s23+$0x0], $0xffff  }
0x78: {  	v3 =	vor.u32 v1, v3;
	v9 =	vmul.f32 v9, v19;
	[tilespmem:v12+s23+$0x0] =	vst.idx.msk $0xffff, v5;
	v5 =	vld.idx.msk [tilespmem:v11+s20+$0x0], $0xffff  }
0x79: {  	v11 =	vld.idx.msk [tilespmem:v4+s23+$0x0], $0xffff  }
0x7a: {  	[tilespmem:v18+s23+$0x0] =	vst.idx.msk $0xffff, v9;
	v9 =	vld.idx.msk [tilespmem:v15+s20+$0x0], $0xffff  }
0x7b: {  	s15 =	simm.s32 $0x14;
	v20 =	vld.idx.msk [tilespmem:v12+s24+$0x0], $0xffff  }
0x7c: {  	s17 =	simm.s32 $0x16;
	v27 =	vor.u32 s15, v0;
	s14 =	simm.s32 $0x12;
	v8 =	vmul.f32 v8, v21;
	v30 =	vld.idx.msk [tilespmem:v18+s24+$0x0], $0xffff  }
0x7d: {  	s16 =	simm.s32 $0x10;
	v26 =	vor.u32 s14, v0;
	v25 =	vld.idx.msk [tilespmem:v3+s23+$0x0], $0xffff;
	v15 =	vor.u32 s17, v0;
	v14 =	vmul.f32 v14, v23  }
0x7e: {  	v31 =	vshll.u32 v26, $0x3;
	v32 =	vshll.u32 v15, $0x3;
	[tilespmem:v17+s23+$0x0] =	vst.idx.msk $0xffff, v8;
	v8 =	vld.idx.msk [tilespmem:v16+s20+$0x0], $0xffff;
	v16 =	vor.u32 s16, v0  }
0x7f: {  	[tilespmem:v2+s23+$0x0] =	vst.idx.msk $0xffff, v14;
	v14 =	vshll.u32 v27, $0x3;
	v28 =	vld.idx.msk [tilespmem:v17+s24+$0x0], $0xffff;
	v29 =	vshll.u32 v16, $0x3;
	v11 =	vmul.f32 v11, v24  }
0x80: {  	v22 =	vmul.f32 v22, v9;
	v20 =	vmul.f32 v20, v10;
	v10 =	vor.u32 v1, v14  }
0x81: {  	v14 =	vor.u32 v1, v29;
	v29 =	vld.idx.msk [tilespmem:v2+s24+$0x0], $0xffff;
	v19 =	vmul.f32 v30, v19;
	[tilespmem:v4+s23+$0x0] =	vst.idx.msk $0xffff, v11  }
0x82: {  	v11 =	vor.u32 v1, v31;
	v31 =	vmul.f32 v13, v5;
	v13 =	vld.idx.msk [tilespmem:v26+s20+$0x0], $0xffff;
	[tilespmem:v6+s23+$0x0] =	vst.idx.msk $0xffff, v22  }
0x83: {  	v33 =	vld.idx.msk [tilespmem:v4+s24+$0x0], $0xffff;
	[tilespmem:v12+s24+$0x0] =	vst.idx.msk $0xffff, v20;
	v20 =	vor.u32 v1, v32  }
0x84: {  	v25 =	vmul.f32 v25, v8;
	v12 =	vld.idx.msk [tilespmem:v27+s20+$0x0], $0xffff;
	v21 =	vmul.f32 v28, v21;
	[tilespmem:v18+s24+$0x0] =	vst.idx.msk $0xffff, v19  }
0x85: {  	[tilespmem:v7+s23+$0x0] =	vst.idx.msk $0xffff, v31;
	v27 =	vld.idx.msk [tilespmem:v10+s23+$0x0], $0xffff  }
0x86: {  	[tilespmem:v3+s23+$0x0] =	vst.idx.msk $0xffff, v25;
	v22 =	vld.idx.msk [tilespmem:v14+s23+$0x0], $0xffff  }
0x87: {  	v18 =	vmov v7;
	[tilespmem:v17+s24+$0x0] =	vst.idx.msk $0xffff, v21;
	v17 =	vmov v14;
	v29 =	vmul.f32 v29, v23;
	v26 =	vld.idx.msk [tilespmem:v11+s23+$0x0], $0xffff  }
0x88: {  	s15 =	simm.s32 $0x1E;
	s14 =	simm.s32 $0x8;
	v19 =	vmovc v6;
	v23 =	vmovc v10;
	v21 =	vmov v10;
	v25 =	vld.idx.msk [tilespmem:v20+s23+$0x0], $0xffff;
	v28 =	vmul.f32 v33, v24;
	v24 =	vmov v3  }
.LBB2_7:
0x89: {  	v30 =	vmov v20  }
0x8a: {  	s9 =	sadd.s32 $0xFFFFFFFC, s15;
	s10 =	sadd.s32 $0xFFFFFFFE, s15;
	v20 =	vor.u32 s15, v0;
	s14 =	sadd.s32 $0x4, s14;
	v32 =	vmovc v11;
	v31 =	vld.idx.msk [tilespmem:v16+s20+$0x0], $0xffff;
	[tilespmem:v2+s24+$0x0] =	vst.idx.msk $0xffff, v29;
	v2 =	vmov v3;
	v3 =	vmov v30  }
0x8b: {  	s16 =	sadd.s32 $0xFFFFFFFA, s15;
	v29 =	vor.u32 s9, v0;
	v33 =	vor.u32 s10, v0;
	v34 =	vshll.u32 v20, $0x3;
	p1 =	slt.u32 s14, $0x18C;
	v35 =	vld.idx.msk [tilespmem:v15+s20+$0x0], $0xffff;
	[tilespmem:v4+s24+$0x0] =	vst.idx.msk $0xffff, v28;
	v15 =	vmovc v20  }
0x8c: {  	v16 =	vor.u32 s16, v0;
	v27 =	vmul.f32 v27, v12;
	v20 =	vshll.u32 v33, $0x3;
	v4 =	vmovc v10;
	v28 =	vld.idx.msk [tilespmem:v6+s24+$0x0], $0xffff;
	v6 =	vmovc v14  }
0x8d: {  	v38 =	vmovc v13;
	v36 =	vshll.u32 v29, $0x3;
	v14 =	vshll.u32 v16, $0x3;
	v10 =	vor.u32 v1, v20;
	v37 =	vld.idx.msk [tilespmem:v7+s24+$0x0], $0xffff;
	v7 =	vmovc v11  }
0x8e: {  	v14 =	vor.u32 v1, v14;
	v11 =	vor.u32 v1, v36;
	[tilespmem:v23+s23+$0x0] =	vst.idx.msk $0xffff, v27;
	v36 =	vld.idx.msk [tilespmem:v24+s24+$0x0], $0xffff  }
0x8f: {  	v20 =	vor.u32 v1, v34;
	v26 =	vmul.f32 v26, v38;
	v23 =	vmovc v10;
	v34 =	vld.idx.msk [tilespmem:v21+s24+$0x0], $0xffff;
	v21 =	vmov v10  }
0x90: {  	v24 =	vmov v30;
	v30 =	vmov v12;
	v22 =	vmul.f32 v22, v31;
	v13 =	vld.idx.msk [tilespmem:v29+s20+$0x0], $0xffff  }
.Ltmp2:
0x91: {  	v25 =	vmul.f32 v25, v35;
	v12 =	vld.idx.msk [tilespmem:v33+s20+$0x0], $0xffff;
	[tilespmem:v32+s23+$0x0] =	vst.idx.msk $0xffff, v26;
	(pc) =	sbr.rel @p1 .LBB2_7-.Ltmp2, $4  }
0x92: {  	v28 =	vmul.f32 v28, v9;
	v9 =	vmov v31;
	v27 =	vld.idx.msk [tilespmem:v10+s23+$0x0], $0xffff;
	[tilespmem:v17+s23+$0x0] =	vst.idx.msk $0xffff, v22  }
0x93: {  	v31 =	vmul.f32 v37, v5;
	v5 =	vmov v38;
	v22 =	vld.idx.msk [tilespmem:v14+s23+$0x0], $0xffff;
	[tilespmem:v3+s23+$0x0] =	vst.idx.msk $0xffff, v25  }
0x94: {  	v29 =	vmul.f32 v36, v8;
	v8 =	vmov v35;
	v26 =	vld.idx.msk [tilespmem:v11+s23+$0x0], $0xffff;
	[tilespmem:v19+s24+$0x0] =	vst.idx.msk $0xffff, v28;
	v19 =	vmov v17  }
0x95: {  	s15 =	sadd.s32 $0x8, s15;
	v28 =	vmul.f32 v34, v30;
	v17 =	vmov v14;
	v25 =	vld.idx.msk [tilespmem:v20+s23+$0x0], $0xffff;
	[tilespmem:v18+s24+$0x0] =	vst.idx.msk $0xffff, v31;
	v18 =	vmov v32  }
0x96: {  	_ =	sdelay $0x3  }
0x97: {  	v16 =	vld.idx.msk [tilespmem:v16+s20+$0x0], $0xffff;
	_ =	sdelay $0x1  }
0x98: {  	v15 =	vld.idx.msk [tilespmem:v15+s20+$0x0], $0xffff;
	_ =	sdelay $0x1  }
0x99: {  	v6 =	vld.idx.msk [tilespmem:v6+s24+$0x0], $0xffff;
	v27 =	vmul.f32 v27, v12  }
0x9a: {  	[tilespmem:v2+s24+$0x0] =	vst.idx.msk $0xffff, v29;
	v2 =	vld.idx.msk [tilespmem:v7+s24+$0x0], $0xffff;
	v7 =	vmul.f32 v22, v16  }
0x9b: {  	v60 =	vld.idx.msk [tilespmem:v24+s24+$0x0], $0xffff;
	[tilespmem:v23+s23+$0x0] =	vst.idx.msk $0xffff, v27;
	v61 =	vmul.f32 v26, v13  }
0x9c: {  	v21 =	vld.idx.msk [tilespmem:v21+s24+$0x0], $0xffff;
	v62 =	vmul.f32 v25, v15;
	[tilespmem:v17+s23+$0x0] =	vst.idx.msk $0xffff, v7  }
0x9d: {  	[tilespmem:v11+s23+$0x0] =	vst.idx.msk $0xffff, v61;
	v7 =	vld.idx.msk [tilespmem:v14+s24+$0x0], $0xffff  }
0x9e: {  	v6 =	vmul.f32 v6, v9;
	v63 =	vld.idx.msk [tilespmem:v11+s24+$0x0], $0xffff;
	[tilespmem:v20+s23+$0x0] =	vst.idx.msk $0xffff, v62  }
0x9f: {  	[tilespmem:v4+s24+$0x0] =	vst.idx.msk $0xffff, v28;
	v2 =	vmul.f32 v2, v5;
	v4 =	vld.idx.msk [tilespmem:v20+s24+$0x0], $0xffff  }
0xa0: {  	v5 =	vmul.f32 v60, v8;
	[tilespmem:v19+s24+$0x0] =	vst.idx.msk $0xffff, v6  }
0xa1: {  	[tilespmem:v18+s24+$0x0] =	vst.idx.msk $0xffff, v2;
	v6 =	vmul.f32 v21, v12  }
0xa2: {  	[tilespmem:v3+s24+$0x0] =	vst.idx.msk $0xffff, v5;
	v2 =	vmul.f32 v7, v16  }
0xa3: {  	[tilespmem:v10+s24+$0x0] =	vst.idx.msk $0xffff, v6;
	v3 =	vmul.f32 v63, v13  }
0xa4: {  	[tilespmem:v17+s24+$0x0] =	vst.idx.msk $0xffff, v2;
	v2 =	vmul.f32 v4, v15  }
0xa5: {  	p1 =	seq.s32 s11, $0x0;
	[tilespmem:v11+s24+$0x0] =	vst.idx.msk $0xffff, v3  }
0xa6: {  	s9 =	simm.s32 @!p1 $0x6;
	[tilespmem:v20+s24+$0x0] =	vst.idx.msk $0xffff, v2  }
0xa7: {  	_ =	swait.ge @!p1 [sflag:s9], $0x1900  }
0xa8: {  	[sflag:s9] =	ssyncset.done @!p1 $0x0  }
0xa9: {  	[sflag:s9] =	ssyncadd.s32 @!p1 $0xFFFFE700  }
0xaa: {  	s14 =	smul.u32 $0x640, s11;
	_ =	swait.ge @!p1 [sflag:s9], $0x1900  }
0xab: {  	[sflag:s9] =	ssyncset.done @!p1 $0x0  }
0xac: {  	s16 =	sadd.s32 s14, s12;
	[sflag:s9] =	ssyncadd.s32 @!p1 $0xFFFFE700  }
0xad: {  	[spmem:s3] =	stream.indirect.scatter.add.f32 [tilespmem:s23], [sflag:$0x5], $0x8, s18, s22, $0xb8;
	[tilespmem:$0x1FD60] =	vst v63  }
0xae: {  	s9 =	sshrl.u32 s16, $0x3  }
0xaf: {  	[spmem:s3] =	stream.indirect.scatter.add.f32 [tilespmem:s24], [sflag:$0x5], $0x8, s19, s22, $0xb8;
	[tilespmem:$0x1FD60] =	vst v63  }
0xb0: {  	s10 =	sadd.s32 s6, s9  }
0xb1: {  	[tilespmem:s26], [sflag:$0x2] =	stream.linear.gather [hbm4b:s10+s4], $0x320, $0x38;
	[tilespmem:$0x1FD60] =	vst v63  }
0xb2: {  	s17 =	sadd.s32 s7, s9  }
0xb3: {  	[tilespmem:s28], [sflag:$0x2] =	stream.linear.gather [hbm4b:s17+s4], $0x320, $0x38;
	[tilespmem:$0x1FD60] =	vst v63  }
0xb4: {  	s9 =	sadd.s32 s1, s9  }
0xb5: {  	[tilespmem:s29], [sflag:$0x2] =	stream.linear.gather [hbm4b:s9+s4], $0x320, $0x38;
	[tilespmem:$0x1FD60] =	vst v63  }
0xb6: {  	_ =	swait.ge [sflag:s30], $0x320  }
0xb7: {  	[sflag:s30] =	ssyncset.done $0x0  }
0xb8: {  	[sflag:s30] =	ssyncadd.s32 $0xFFFFFCE0  }
0xb9: {  	_ =	swait.ge [sflag:s30], $0x320  }
0xba: {  	[sflag:s30] =	ssyncset.done $0x0  }
0xbb: {  	[sflag:s30] =	ssyncadd.s32 $0xFFFFFCE0  }
0xbc: {  	_ =	swait.ge [sflag:s30], $0x320  }
0xbd: {  	[sflag:s30] =	ssyncset.done $0x0  }
0xbe: {  	[sflag:s30] =	ssyncadd.s32 $0xFFFFFCE0  }
0xbf: {  	[tilespmem:s31], [sflag:$0x4] =	stream.indirect.gather [spmem:s2], $0x8, s28, s22, $0xb8;
	[tilespmem:$0x1FD60] =	vst v63  }
0xc0: {  	s17 =	simm.s32 $0x1C220  }
0xc1: {  	[tilespmem:s0], [sflag:$0x4] =	stream.indirect.gather [spmem:s2], $0x8, s26, s22, $0xb8;
	[tilespmem:$0x1FD60] =	vst v63  }
0xc2: {  	v2 =	vld [tilespmem:s17+$0x0];
	_ =	sdelay $0x1  }
0xc3: {  	v3 =	vld [tilespmem:s17+$0xFFFFFFE0]  }
0xc4: {  	v4 =	vld [tilespmem:s17+$0xFFFFFFF0];
	_ =	sdelay $0x1  }
0xc5: {  	v5 =	vld [tilespmem:s17+$0x10];
	(erf) = vrcp.f32 v2;
	_ =	sdelay $0x1  }
0xc6: {  	s16 =	simm.s32 $0x1C260;
	(erf) = vrcp.f32 v3  }
0xc7: {  	v2 =	vld [tilespmem:s16+$0x0];
	(erf) = vrcp.f32 v4  }
0xc8: {  	v3 =	vld [tilespmem:s16+$0xFFFFFFE0]  }
0xc9: {  	v4 =	vld [tilespmem:s16+$0xFFFFFFF0];
	(erf) = vrcp.f32 v5  }
0xca: {  	s15 =	simm.s32 $0x1C2A0;
	v5 =	vld [tilespmem:s16+$0x10]  }
0xcb: {  	v6 =	vld [tilespmem:s15+$0x0]  }
0xcc: {  	(erf) = vrcp.f32 v2  }
0xcd: {  	(erf) = vrcp.f32 v3;
	v3 =	vpop (erf)  }
0xce: {  	(erf) = vrcp.f32 v4;
	v7 =	vmul.f32 $5.000000000e-01, v3  }
0xcf: {  	v2 =	vld [tilespmem:s15+$0xFFFFFFE0];
	v4 =	vpop (erf);
	(erf) = vrcp.f32 v5  }
0xd0: {  	v3 =	vld [tilespmem:s15+$0xFFFFFFF0];
	v8 =	vpop (erf);
	(erf) = vrcp.f32 v6  }
0xd1: {  	v5 =	vmul.f32 $5.000000000e-01, v4;
	v4 =	vld [tilespmem:s15+$0x10]  }
0xd2: {  	s10 =	simm.s32 $0x1C2E0;
	s9 =	simm.s32 $0x8;
	v6 =	vmul.f32 $5.000000000e-01, v8;
	[tilespmem:s17+$0x0] =	vst v7;
	v7 =	vpop (erf)  }
.LBB2_9:
0xd3: {  	s9 =	sadd.s32 $0x4, s9  }
0xd4: {  	v8 =	vld [tilespmem:s10+$0x0];
	(erf) = vrcp.f32 v2;
	[tilespmem:s17+$0xFFFFFFE0] =	vst v5;
	v9 =	vmul.f32 $5.000000000e-01, v7;
	p1 =	slt.u32 s9, $0x2C  }
.Ltmp3:
0xd5: {  	v2 =	vld [tilespmem:s10+$0xFFFFFFE0];
	(erf) = vrcp.f32 v3;
	[tilespmem:s17+$0xFFFFFFF0] =	vst v6;
	(pc) =	sbr.rel @p1 .LBB2_9-.Ltmp3, $4  }
0xd6: {  	v3 =	vld [tilespmem:s10+$0xFFFFFFF0];
	(erf) = vrcp.f32 v4;
	v6 =	vpop (erf);
	[tilespmem:s17+$0x10] =	vst v9;
	s17 =	smov.u32 s16;
	s16 =	smov.u32 s15;
	s15 =	smov.u32 s10  }
0xd7: {  	v4 =	vld [tilespmem:s10+$0x10];
	v9 =	vmul.f32 $5.000000000e-01, v6;
	v5 =	vpop (erf)  }
0xd8: {  	v5 =	vmul.f32 $5.000000000e-01, v5;
	v6 =	vpop (erf)  }
0xd9: {  	s10 =	sadd.s32 $0x40, s10;
	(erf) = vrcp.f32 v8;
	v6 =	vmul.f32 $5.000000000e-01, v6;
	[tilespmem:s17+$0x0] =	vst v9;
	v7 =	vpop (erf)  }
0xda: {  	_ = 	snop  }
0xdb: {  	(erf) = vrcp.f32 v2  }
0xdc: {  	(erf) = vrcp.f32 v3;
	v3 =	vpop (erf)  }
0xdd: {  	v3 =	vmul.f32 $5.000000000e-01, v3  }
0xde: {  	v2 =	vmul.f32 $5.000000000e-01, v7;
	(erf) = vrcp.f32 v4  }
0xdf: {  	v60 =	vpop (erf)  }
0xe0: {  	[tilespmem:s17+$0x10] =	vst v2;
	v2 =	vmul.f32 $5.000000000e-01, v60;
	v61 =	vpop (erf)  }
0xe1: {  	[tilespmem:s16+$0x0] =	vst v3;
	v3 =	vpop (erf)  }
0xe2: {  	[tilespmem:s16+$0xFFFFFFE0] =	vst v2;
	v2 =	vmul.f32 $5.000000000e-01, v3;
	v3 =	vpop (erf)  }
0xe3: {  	[tilespmem:s17+$0xFFFFFFE0] =	vst v5;
	v4 =	vmul.f32 $5.000000000e-01, v61;
	v3 =	vmul.f32 $5.000000000e-01, v3  }
0xe4: {  	[tilespmem:s17+$0xFFFFFFF0] =	vst v6  }
0xe5: {  	[tilespmem:s16+$0xFFFFFFF0] =	vst v4;
	v62 =	vpop (erf)  }
0xe6: {  	[tilespmem:s16+$0x10] =	vst v2;
	v2 =	vmul.f32 $5.000000000e-01, v62;
	v63 =	vpop (erf)  }
0xe7: {  	v4 =	vmul.f32 $5.000000000e-01, v63;
	[tilespmem:s15+$0x0] =	vst v3;
	v3 =	vpop (erf)  }
0xe8: {  	[tilespmem:s15+$0xFFFFFFE0] =	vst v2;
	v2 =	vmul.f32 $5.000000000e-01, v3  }
0xe9: {  	[tilespmem:s15+$0xFFFFFFF0] =	vst v4  }
0xea: {  	s9 =	simm.s32 $0x0;
	[tilespmem:s15+$0x10] =	vst v2  }
.LBB2_11:
0xeb: {  	s10 =	sshra.s32 s9, $0x2  }
0xec: {  	v2 =	vld [tilespmem:s10+$0x1C500];
	_ =	sdelay $0x4  }
0xed: {  	(erf) = vrcp.f32 v2;
	_ =	sdelay $0x6  }
0xee: {  	p1 =	sne.s32 s9, $0x40  }
.Ltmp4:
0xef: {  	_ = 	snop;
	(pc) =	sbr.rel @p1 .LBB2_11-.Ltmp4, $3  }
0xf0: {  	v2 =	vpop (erf)  }
0xf1: {  	v2 =	vmul.f32 $5.000000000e-01, v2;
	_ =	sdelay $0x1  }
0xf2: {  	s9 =	sadd.s32 $0x40, s9;
	[tilespmem:s10+$0x1C500] =	vst v2  }
0xf3: {  	s9 =	simm.s32 $0x4;
	_ =	swait.ge [sflag:s5], $0x1900  }
0xf4: {  	s10 =	simm.s32 $0x2;
	v2 =	vor.u32 s9, v0;
	[sflag:s5] =	ssyncset.done $0x0  }
0xf5: {  	s17 =	simm.s32 $0x6;
	v4 =	vor.u32 s10, v0;
	[sflag:s5] =	ssyncadd.s32 $0xFFFFE700  }
0xf6: {  	v6 =	vor.u32 s17, v0;
	v3 =	vshll.u32 v2, $0x3;
	_ =	swait.ge [sflag:s5], $0x1900  }
0xf7: {  	s16 =	simm.s32 $0x0;
	v12 =	vor.u32 v1, v3;
	[sflag:s5] =	ssyncset.done $0x0  }
0xf8: {  	s10 =	simm.s32 $0xA;
	v7 =	vshll.u32 v4, $0x3;
	v3 =	vor.u32 s16, v0;
	[sflag:s5] =	ssyncadd.s32 $0xFFFFE700  }
0xf9: {  	v11 =	vor.u32 s10, v0;
	v18 =	vor.u32 v1, v7;
	s16 =	simm.s32 $0xC;
	v10 =	vld.idx.msk [tilespmem:v2+s29+$0x0], $0xffff  }
0xfa: {  	v7 =	vshll.u32 v11, $0x3;
	v5 =	vshll.u32 v3, $0x3;
	v13 =	vor.u32 s16, v0;
	v19 =	vld.idx.msk [tilespmem:v4+s29+$0x0], $0xffff  }
0xfb: {  	s15 =	simm.s32 $0x8;
	v7 =	vor.u32 v1, v7;
	v17 =	vor.u32 v1, v5;
	v5 =	vshll.u32 v6, $0x3;
	v23 =	vld.idx.msk [tilespmem:v6+s29+$0x0], $0xffff  }
0xfc: {  	v15 =	vor.u32 s15, v0;
	v2 =	vor.u32 v1, v5;
	v5 =	vld.idx.msk [tilespmem:v12+s31+$0x0], $0xffff  }
0xfd: {  	v21 =	vld.idx.msk [tilespmem:v3+s29+$0x0], $0xffff;
	v3 =	vshll.u32 v15, $0x3  }
0xfe: {  	v9 =	vld.idx.msk [tilespmem:v18+s31+$0x0], $0xffff;
	v6 =	vor.u32 v1, v3  }
0xff: {  	v4 =	vshll.u32 v13, $0x3;
	v24 =	vld.idx.msk [tilespmem:v13+s29+$0x0], $0xffff  }
0x100: {  	v4 =	vor.u32 v1, v4;
	v13 =	vld.idx.msk [tilespmem:v7+s31+$0x0], $0xffff  }
0x101: {  	s17 =	simm.s32 $0xE;
	v8 =	vld.idx.msk [tilespmem:v17+s31+$0x0], $0xffff  }
0x102: {  	v16 =	vor.u32 s17, v0;
	v14 =	vld.idx.msk [tilespmem:v2+s31+$0x0], $0xffff;
	v5 =	vmul.f32 v5, v10  }
0x103: {  	v3 =	vshll.u32 v16, $0x3;
	v22 =	vld.idx.msk [tilespmem:v6+s31+$0x0], $0xffff  }
0x104: {  	v3 =	vor.u32 v1, v3;
	v9 =	vmul.f32 v9, v19;
	[tilespmem:v12+s31+$0x0] =	vst.idx.msk $0xffff, v5;
	v5 =	vld.idx.msk [tilespmem:v11+s29+$0x0], $0xffff  }
0x105: {  	v11 =	vld.idx.msk [tilespmem:v4+s31+$0x0], $0xffff  }
0x106: {  	[tilespmem:v18+s31+$0x0] =	vst.idx.msk $0xffff, v9;
	v9 =	vld.idx.msk [tilespmem:v15+s29+$0x0], $0xffff  }
0x107: {  	s15 =	simm.s32 $0x14;
	v20 =	vld.idx.msk [tilespmem:v12+s0+$0x0], $0xffff  }
0x108: {  	s10 =	simm.s32 $0x12;
	v27 =	vor.u32 s15, v0;
	s17 =	simm.s32 $0x16;
	v8 =	vmul.f32 v8, v21;
	v30 =	vld.idx.msk [tilespmem:v18+s0+$0x0], $0xffff  }
0x109: {  	v26 =	vor.u32 s10, v0;
	s16 =	simm.s32 $0x10;
	v25 =	vld.idx.msk [tilespmem:v3+s31+$0x0], $0xffff;
	v15 =	vor.u32 s17, v0;
	v14 =	vmul.f32 v14, v23  }
0x10a: {  	v31 =	vshll.u32 v26, $0x3;
	v32 =	vshll.u32 v15, $0x3;
	[tilespmem:v17+s31+$0x0] =	vst.idx.msk $0xffff, v8;
	v8 =	vld.idx.msk [tilespmem:v16+s29+$0x0], $0xffff;
	v16 =	vor.u32 s16, v0  }
0x10b: {  	[tilespmem:v2+s31+$0x0] =	vst.idx.msk $0xffff, v14;
	v14 =	vshll.u32 v27, $0x3;
	v28 =	vld.idx.msk [tilespmem:v17+s0+$0x0], $0xffff;
	v29 =	vshll.u32 v16, $0x3;
	v11 =	vmul.f32 v11, v24  }
0x10c: {  	v22 =	vmul.f32 v22, v9;
	v20 =	vmul.f32 v20, v10;
	v10 =	vor.u32 v1, v14  }
0x10d: {  	v14 =	vor.u32 v1, v29;
	v29 =	vld.idx.msk [tilespmem:v2+s0+$0x0], $0xffff;
	v19 =	vmul.f32 v30, v19;
	[tilespmem:v4+s31+$0x0] =	vst.idx.msk $0xffff, v11  }
0x10e: {  	v11 =	vor.u32 v1, v31;
	v31 =	vmul.f32 v13, v5;
	v13 =	vld.idx.msk [tilespmem:v26+s29+$0x0], $0xffff;
	[tilespmem:v6+s31+$0x0] =	vst.idx.msk $0xffff, v22  }
0x10f: {  	v33 =	vld.idx.msk [tilespmem:v4+s0+$0x0], $0xffff;
	[tilespmem:v12+s0+$0x0] =	vst.idx.msk $0xffff, v20;
	v20 =	vor.u32 v1, v32  }
0x110: {  	v25 =	vmul.f32 v25, v8;
	v12 =	vld.idx.msk [tilespmem:v27+s29+$0x0], $0xffff;
	v21 =	vmul.f32 v28, v21;
	[tilespmem:v18+s0+$0x0] =	vst.idx.msk $0xffff, v19  }
0x111: {  	[tilespmem:v7+s31+$0x0] =	vst.idx.msk $0xffff, v31;
	v27 =	vld.idx.msk [tilespmem:v10+s31+$0x0], $0xffff  }
0x112: {  	[tilespmem:v3+s31+$0x0] =	vst.idx.msk $0xffff, v25;
	v22 =	vld.idx.msk [tilespmem:v14+s31+$0x0], $0xffff  }
0x113: {  	v18 =	vmov v7;
	[tilespmem:v17+s0+$0x0] =	vst.idx.msk $0xffff, v21;
	v17 =	vmov v14;
	v29 =	vmul.f32 v29, v23;
	v26 =	vld.idx.msk [tilespmem:v11+s31+$0x0], $0xffff  }
0x114: {  	s15 =	simm.s32 $0x8;
	s16 =	simm.s32 $0x1E;
	v19 =	vmovc v6;
	v23 =	vmovc v10;
	v21 =	vmov v10;
	v25 =	vld.idx.msk [tilespmem:v20+s31+$0x0], $0xffff;
	v28 =	vmul.f32 v33, v24;
	v24 =	vmov v3  }
.LBB2_13:
0x115: {  	v30 =	vmov v20  }
0x116: {  	s9 =	sadd.s32 $0xFFFFFFFC, s16;
	s10 =	sadd.s32 $0xFFFFFFFE, s16;
	v20 =	vor.u32 s16, v0;
	s15 =	sadd.s32 $0x4, s15;
	v32 =	vmovc v11;
	v31 =	vld.idx.msk [tilespmem:v16+s29+$0x0], $0xffff;
	[tilespmem:v2+s0+$0x0] =	vst.idx.msk $0xffff, v29;
	v2 =	vmov v3;
	v3 =	vmov v30  }
0x117: {  	s17 =	sadd.s32 $0xFFFFFFFA, s16;
	v29 =	vor.u32 s9, v0;
	v33 =	vor.u32 s10, v0;
	v34 =	vshll.u32 v20, $0x3;
	p1 =	slt.u32 s15, $0x18C;
	v35 =	vld.idx.msk [tilespmem:v15+s29+$0x0], $0xffff;
	[tilespmem:v4+s0+$0x0] =	vst.idx.msk $0xffff, v28;
	v15 =	vmovc v20  }
0x118: {  	v16 =	vor.u32 s17, v0;
	v27 =	vmul.f32 v27, v12;
	v20 =	vshll.u32 v33, $0x3;
	v4 =	vmovc v10;
	v28 =	vld.idx.msk [tilespmem:v6+s0+$0x0], $0xffff;
	v6 =	vmovc v14  }
0x119: {  	v38 =	vmovc v13;
	v36 =	vshll.u32 v29, $0x3;
	v14 =	vshll.u32 v16, $0x3;
	v10 =	vor.u32 v1, v20;
	v37 =	vld.idx.msk [tilespmem:v7+s0+$0x0], $0xffff;
	v7 =	vmovc v11  }
0x11a: {  	v14 =	vor.u32 v1, v14;
	v11 =	vor.u32 v1, v36;
	[tilespmem:v23+s31+$0x0] =	vst.idx.msk $0xffff, v27;
	v36 =	vld.idx.msk [tilespmem:v24+s0+$0x0], $0xffff  }
0x11b: {  	v20 =	vor.u32 v1, v34;
	v26 =	vmul.f32 v26, v38;
	v23 =	vmovc v10;
	v34 =	vld.idx.msk [tilespmem:v21+s0+$0x0], $0xffff;
	v21 =	vmov v10  }
0x11c: {  	v24 =	vmov v30;
	v30 =	vmov v12;
	v22 =	vmul.f32 v22, v31;
	v13 =	vld.idx.msk [tilespmem:v29+s29+$0x0], $0xffff  }
.Ltmp5:
0x11d: {  	v25 =	vmul.f32 v25, v35;
	v12 =	vld.idx.msk [tilespmem:v33+s29+$0x0], $0xffff;
	[tilespmem:v32+s31+$0x0] =	vst.idx.msk $0xffff, v26;
	(pc) =	sbr.rel @p1 .LBB2_13-.Ltmp5, $4  }
0x11e: {  	v28 =	vmul.f32 v28, v9;
	v9 =	vmov v31;
	v27 =	vld.idx.msk [tilespmem:v10+s31+$0x0], $0xffff;
	[tilespmem:v17+s31+$0x0] =	vst.idx.msk $0xffff, v22  }
0x11f: {  	v31 =	vmul.f32 v37, v5;
	v5 =	vmov v38;
	v22 =	vld.idx.msk [tilespmem:v14+s31+$0x0], $0xffff;
	[tilespmem:v3+s31+$0x0] =	vst.idx.msk $0xffff, v25  }
0x120: {  	v29 =	vmul.f32 v36, v8;
	v8 =	vmov v35;
	v26 =	vld.idx.msk [tilespmem:v11+s31+$0x0], $0xffff;
	[tilespmem:v19+s0+$0x0] =	vst.idx.msk $0xffff, v28;
	v19 =	vmov v17  }
0x121: {  	s16 =	sadd.s32 $0x8, s16;
	v28 =	vmul.f32 v34, v30;
	v17 =	vmov v14;
	v25 =	vld.idx.msk [tilespmem:v20+s31+$0x0], $0xffff;
	[tilespmem:v18+s0+$0x0] =	vst.idx.msk $0xffff, v31;
	v18 =	vmov v32  }
0x122: {  	_ =	sdelay $0x3  }
0x123: {  	v16 =	vld.idx.msk [tilespmem:v16+s29+$0x0], $0xffff;
	_ =	sdelay $0x1  }
0x124: {  	v15 =	vld.idx.msk [tilespmem:v15+s29+$0x0], $0xffff;
	_ =	sdelay $0x1  }
0x125: {  	v6 =	vld.idx.msk [tilespmem:v6+s0+$0x0], $0xffff;
	v27 =	vmul.f32 v27, v12  }
0x126: {  	[tilespmem:v2+s0+$0x0] =	vst.idx.msk $0xffff, v29;
	v2 =	vld.idx.msk [tilespmem:v7+s0+$0x0], $0xffff;
	v56 =	vmul.f32 v22, v16  }
0x127: {  	v57 =	vld.idx.msk [tilespmem:v24+s0+$0x0], $0xffff;
	[tilespmem:v23+s31+$0x0] =	vst.idx.msk $0xffff, v27;
	v58 =	vmul.f32 v26, v13  }
0x128: {  	v21 =	vld.idx.msk [tilespmem:v21+s0+$0x0], $0xffff;
	v59 =	vmul.f32 v25, v15;
	[tilespmem:v17+s31+$0x0] =	vst.idx.msk $0xffff, v56  }
0x129: {  	[tilespmem:v11+s31+$0x0] =	vst.idx.msk $0xffff, v58;
	v7 =	vld.idx.msk [tilespmem:v14+s0+$0x0], $0xffff  }
0x12a: {  	v6 =	vmul.f32 v6, v9;
	v60 =	vld.idx.msk [tilespmem:v11+s0+$0x0], $0xffff;
	[tilespmem:v20+s31+$0x0] =	vst.idx.msk $0xffff, v59  }
0x12b: {  	[tilespmem:v4+s0+$0x0] =	vst.idx.msk $0xffff, v28;
	v2 =	vmul.f32 v2, v5;
	v61 =	vld.idx.msk [tilespmem:v20+s0+$0x0], $0xffff  }
0x12c: {  	v62 =	vmul.f32 v57, v8;
	[tilespmem:v19+s0+$0x0] =	vst.idx.msk $0xffff, v6  }
0x12d: {  	[tilespmem:v18+s0+$0x0] =	vst.idx.msk $0xffff, v2;
	v63 =	vmul.f32 v21, v12  }
0x12e: {  	[tilespmem:v3+s0+$0x0] =	vst.idx.msk $0xffff, v62;
	v2 =	vmul.f32 v7, v16  }
0x12f: {  	[tilespmem:v10+s0+$0x0] =	vst.idx.msk $0xffff, v63;
	v3 =	vmul.f32 v60, v13  }
0x130: {  	[tilespmem:v17+s0+$0x0] =	vst.idx.msk $0xffff, v2;
	v2 =	vmul.f32 v61, v15  }
0x131: {  	[tilespmem:v11+s0+$0x0] =	vst.idx.msk $0xffff, v3  }
0x132: {  	[tilespmem:v20+s0+$0x0] =	vst.idx.msk $0xffff, v2  }
0x133: {  	[spmem:s3] =	stream.indirect.scatter.add.f32 [tilespmem:s31], [sflag:$0x6], $0x8, s26, s22, $0xb8;
	[tilespmem:$0x1FD60] =	vst v63  }
0x134: {  	_ = 	snop  }
0x135: {  	[spmem:s3] =	stream.indirect.scatter.add.f32 [tilespmem:s0], [sflag:$0x6], $0x8, s28, s22, $0xb8;
	[tilespmem:$0x1FD60] =	vst v63  }
0x136: {  	_ =	swait.ge [sflag:s8], $0x1900  }
0x137: {  	[sflag:s8] =	ssyncset.done $0x0  }
0x138: {  	p1 =	seq.s32 s11, $0x7C;
	[sflag:s8] =	ssyncadd.s32 $0xFFFFE700  }
0x139: {  	s9 =	sadd.s32 @!p1 s14, s13;
	_ =	swait.ge [sflag:s8], $0x1900  }
0x13a: {  	s14 =	simm.s32 @!p1 $0x0;
	s9 =	sshrl.u32 @!p1 s9, $0x3;
	[sflag:s8] =	ssyncset.done $0x0  }
0x13b: {  	s15 =	simm.s32 @!p1 $0x189C0;
	s10 =	sadd.s32 @!p1 s6, s9;
	[sflag:s8] =	ssyncadd.s32 $0xFFFFE700  }
0x13c: {  	[tilespmem:s15], [sflag:$0x1] =	stream.linear.gather @!p1 [hbm4b:s10+s14], $0x320, $0x38;
	[tilespmem:$0x1FD60] =	vst v63  }
0x13d: {  	s11 =	sadd.s32 @!p1 $0x1, s11;
	s10 =	sadd.s32 @!p1 s7, s9;
	s15 =	simm.s32 @!p1 $0x18CE0  }
0x13e: {  	[tilespmem:s15], [sflag:$0x1] =	stream.linear.gather @!p1 [hbm4b:s10+s14], $0x320, $0x38;
	[tilespmem:$0x1FD60] =	vst v63  }
0x13f: {  	p2 =	sne.s32 @!p1 s11, $0x7D;
	s9 =	sadd.s32 @!p1 s1, s9;
	s10 =	simm.s32 @!p1 $0x186A0  }
0x140: {  	[tilespmem:s10], [sflag:$0x1] =	stream.linear.gather @!p1 [hbm4b:s9+s14], $0x320, $0x38;
	[tilespmem:$0x1FD60] =	vst v63  }
0x141: {  	p1 =	por p1, !p2  }
.Ltmp6:
0x142: {  	_ = 	snop;
	(pc) =	sbr.rel @!p1 .LBB2_2-.Ltmp6, $1  }
0x143: {  	_ =	sdelay $0x3  }
0x144: {  	s9 =	simm.s32 $0x6  }
0x145: {  	_ =	swait.ge [sflag:s9], $0x1900  }
0x146: {  	[sflag:s9] =	ssyncset.done $0x0  }
0x147: {  	[sflag:s9] =	ssyncadd.s32 $0xFFFFE700  }
0x148: {  	_ =	swait.ge [sflag:s9], $0x1900  }
0x149: {  	[sflag:s9] =	ssyncset.done $0x0  }
0x14a: {  	[sflag:s9] =	ssyncadd.s32 $0xFFFFE700  }
0x14b: {  	[bflag:$0x0] =	sbarrier.arrive $0xFFFF  }
0x14c: {  	s10 =	rddreg [dreg:$0xa]  }
0x14d: {  	s9 =	simm.s32 @!p0 $0x1C07;
	s14 =	rddreg [dreg:$0xd]  }
0x14e: {  	[hbm:s10], [sflag:s9] =	dma.local @!p0 [spmem:s14], $0x186A0  }
0x14f: {  	s9 =	simm.s32 @!p0 $0x7  }
0x150: {  	_ =	swait.ge @!p0 [sflag:s9], $0x186A0  }
0x151: {  	s11 =	rddreg [dreg:$0xe]  }
0x152: {  	s17 =	rddreg [dreg:$0xb];
	s11 =	sadd.s32 $0x1, s11  }
0x153: {  	p1 =	sne.s32 s11, s17  }
.Ltmp7:
0x154: {  	_ = 	snop;
	(pc) =	sbr.rel @p1 .LBB2_1-.Ltmp7, $3  }
0x155: {  	_ =	sdelay $0x1  }
0x156: {  	[sflag:s9] =	ssyncset.done @!p0 $0x0  }
0x157: {  	[sflag:s9] =	ssyncadd.s32 @!p0 $0xFFFE7960  }
0x158: {  	_ =	sfence.sel $0x180000  }
0x159: {  	[bflag:$0x0] =	sbarrier.arrive $0xFFFF  }
0x15a: {  	_ =	strace $0x90000047  }
0x15b: {  	[bflag:$0x2] =	sbarrier.arrive $0xFFFF  }
0x15c: {  	s0 =	rddreg [dreg:$0x4]  }
0x15d: {  	s0 =	sadd.s32 @!p0 $0x100000, s0  }
0x15e: {  	[sflag:s0] =	ssyncadd.tile.s32 @!p0 $0x1;
	_ =	shalt  }
.Lfunc_end2:
_tile_overlayer_lowered:
.L_overlay_start_2:
0x15f: {  	(tag) =	ssettag $0x2  }
0x160: {  	s0 =	rddreg [dreg:$0x0];
	s2 =	stileid.u32  }
0x161: {  	s1 =	rddreg [dreg:$0x1];
	p0 =	sne.s32 s2, $0x0  }
0x162: {  	s3 =	rddreg [dreg:$0x2];
	[bflag:$0x3] =	sbarrier.arrive $0xFFFF;
	s2 =	simm.s32 @!p0 $0x1C07  }
0x163: {  	[timem:s3], [sflag:s2] =	dma.local @!p0 [hbm:s0], s1  }
0x164: {  	s0 =	simm.s32 @!p0 $0x7  }
0x165: {  	_ =	swait.ge @!p0 [sflag:s0], s1  }
0x166: {  	s1 =	ssub.s32 @!p0 $0x0, s1;
	[sflag:s0] =	ssyncset.done @!p0 $0x0  }
0x167: {  	[sflag:s0] =	ssyncadd.s32 @!p0 s1  }
0x168: {  	[bflag:$0x3] =	sbarrier.arrive $0xFFFF  }
0x169: {  	_ =	shalt  }

</sc_bundles>
